<compile_context>
chip_gen: v7x
topology: tpu7x:2x2x1
jax: 0.10.2.dev20260603
libtpu: 0.0.44.dev20260713+nightly
codegen_flags: <defaults>
</compile_context>

<pallas_src>
import functools

import jax
import jax.numpy as jnp
from jax import lax
from jax.experimental import pallas as pl
from jax.experimental.pallas import tpu as pltpu
from jax.experimental.pallas import tpu_sc as plsc

_B = 8
_C = 64
_HW = 4096
_K = 1024
_NBLK = 4096
_GJ = _HW // _NBLK
_LOSS_SCALE = 0.25 * 10.0 / float(_B * _C * _HW)



def _tc_body(x_ref, e_ref, idx_ref, loss_ref, et_ref, em2_ref, e2_ref):
    first = (pl.program_id(0) == 0) & (pl.program_id(1) == 0)
    last = (pl.program_id(0) == _B - 1) & (pl.program_id(1) == _GJ - 1)

    @pl.when(first)
    def _():
        e = e_ref[...]
        em2_ref[...] = -2.0 * e
        e2_ref[...] = jnp.sum(e * e, axis=1, keepdims=True)
        et_ref[...] = jnp.transpose(e)
        loss_ref[0, 0] = 0.0

    x = x_ref[0].reshape(_C, _NBLK)
    d = lax.dot_general(
        em2_ref[...], x, (((1,), (0,)), ((), ())),
        preferred_element_type=jnp.float32,
    ) + e2_ref[...]
    dmin = jnp.min(d, axis=0, keepdims=True)
    idx_ref[0] = jnp.argmin(d, axis=0).astype(jnp.int32)[None, :]

    loss_ref[0, 0] += jnp.sum(x * x) + jnp.sum(dmin)

    @pl.when(last)
    def _():
        loss_ref[0, 0] *= _LOSS_SCALE


def _tc_call(x3, e):
    return pl.pallas_call(
        _tc_body,
        grid=(_B, _GJ),
        in_specs=[
            pl.BlockSpec((1, _C, 64, 64), lambda b, j: (b, 0, 0, 0)),
            pl.BlockSpec((_K, _C), lambda b, j: (0, 0)),
        ],
        out_specs=[
            pl.BlockSpec((1, 1, _NBLK), lambda b, j: (b * _GJ + j, 0, 0)),
            pl.BlockSpec(memory_space=pltpu.SMEM),
            pl.BlockSpec((_C, _K), lambda b, j: (0, 0)),
        ],
        out_shape=[
            jax.ShapeDtypeStruct((_B * _GJ, 1, _NBLK), jnp.int32),
            jax.ShapeDtypeStruct((1, 1), jnp.float32),
            jax.ShapeDtypeStruct((_C, _K), jnp.float32),
        ],
        scratch_shapes=[
            pltpu.VMEM((_K, _C), jnp.float32),
            pltpu.VMEM((_K, 1), jnp.float32),
        ],
    )(x3, e)




def _sc_gather(e_t, idx):
    mesh = plsc.VectorSubcoreMesh(core_axis_name="c", subcore_axis_name="s")

    @functools.partial(
        pl.kernel,
        mesh=mesh,
        compiler_params=pltpu.CompilerParams(needs_layout_passes=False),
        out_type=jax.ShapeDtypeStruct((_B, _C, _HW), jnp.float32),
        scratch_types=[
            pltpu.VMEM((16, _K), jnp.float32),
            pltpu.VMEM((_HW,), jnp.int32),
            pltpu.VMEM((16, _HW), jnp.float32),
            pltpu.SemaphoreType.DMA,
            pltpu.SemaphoreType.DMA,
        ],
    )
    def k(et_hbm, idx_hbm, out_hbm, et_v, idx_v, rows_v, sem, sem2):
        cid = lax.axis_index("c")
        sid = lax.axis_index("s")
        wid = sid * 2 + cid
        b = wid // 4
        dg = wid % 4
        cp_e = pltpu.async_copy(et_hbm.at[pl.ds(dg * 16, 16)], et_v, sem)
        cp_i = pltpu.async_copy(idx_hbm.at[b, 0], idx_v, sem2)
        cp_e.wait()
        cp_i.wait()

        @plsc.parallel_loop(0, _HW // 16, 1, unroll=4)
        def chunk(ci):
            iv = idx_v[pl.ds(ci * 16, 16)]
            for dl in range(16):
                vals = plsc.load_gather(et_v, [jnp.zeros((16,), jnp.int32) + dl, iv])
                rows_v[dl, pl.ds(ci * 16, 16)] = vals

        copies = [
            pltpu.async_copy(rows_v.at[dl], out_hbm.at[b, dg * 16 + dl], sem)
            for dl in range(16)
        ]
        for cp in copies:
            cp.wait()

    return k(e_t, idx)


def kernel(inputs, embedding_weight):
    idx3, loss_sum, e_t = _tc_call(inputs, embedding_weight)
    q = _sc_gather(e_t, idx3)
    quantized_st = q.reshape(_B, _C, 64, 64)
    loss = loss_sum[0, 0]
    encoding_indices = idx3.reshape(_B, 64, 64)
    encodings_sum = jnp.zeros(256, dtype=jnp.float32)
    return (quantized_st, loss, encoding_indices, encodings_sum, embedding_weight)

# --- scband reference (transcript-rebuilt; emitter-appended) ---
"""Pipeline reference for scband-cond-10024453669342 (READ-ONLY COPY).

The authoritative reference and input builder live on the scoring server;
editing this copy changes nothing except your own understanding.
"""

import jax, jax.numpy as jnp
import numpy as np

NUM_EMBEDDINGS = 1024
EMBEDDING_DIM = 64
COMMITMENT_COST = 0.25


def setup_inputs(seed: int = 0) -> dict:
    key = jax.random.key(seed)
    k1, k2 = jax.random.split(key)
    inputs = jax.random.normal(k1, (8, 64, 64, 64), dtype=jnp.float32)
    embedding_weight = jax.random.normal(k2, (NUM_EMBEDDINGS, EMBEDDING_DIM), dtype=jnp.float32)
    return {"inputs": inputs, "embedding_weight": embedding_weight}


def reference(inputs, embedding_weight):
    # EMAQuantizer.forward in eval mode (training EMA branch not taken).
    num_embeddings, embedding_dim = embedding_weight.shape
    B, C, H, W = inputs.shape
    inputs = inputs.astype(jnp.float32)
    # quantize: flatten channel-last
    flat_input = jnp.transpose(inputs, (0, 2, 3, 1)).reshape(-1, embedding_dim)
    distances = (
        jnp.sum(flat_input ** 2, axis=1, keepdims=True)
        + jnp.sum(embedding_weight.T ** 2, axis=0, keepdims=True)
        - 2.0 * jnp.matmul(flat_input, embedding_weight.T)
    )
    encoding_indices_flat = jnp.argmax(-distances, axis=1)
    encodings = jax.nn.one_hot(encoding_indices_flat, num_embeddings, dtype=jnp.float32)
    encoding_indices = encoding_indices_flat.reshape(B, H, W)
    # embed: gather codebook rows, back to channel-first
    quantized = jnp.take(embedding_weight, encoding_indices, axis=0)  # [B,H,W,D]
    quantized = jnp.transpose(quantized, (0, 3, 1, 2))  # [B,D,H,W]
    # eval branch
    encodings_sum = jnp.zeros(256, dtype=jnp.float32)
    loss = COMMITMENT_COST * jnp.mean((jax.lax.stop_gradient(quantized) - inputs) ** 2)
    loss = loss * 10.0
    quantized_st = inputs + jax.lax.stop_gradient(quantized - inputs)
    return (quantized_st, loss, encoding_indices, encodings_sum, embedding_weight)

if __name__ == "__main__":
    import jax
    _d = setup_inputs()
    print(jax.jit(kernel)(*tuple(_d.values())))

</pallas_src>

<mosaic_0001>
#map = affine_map<(d0, d1) -> (0, 0)>
#map1 = affine_map<(d0, d1) -> (0, 0, 0)>
module attributes {stable_mosaic.version = 14 : i64} {
  func.func @k(%arg0: i32, %arg1: i32, %arg2: memref<64x1024xf32, #tpu.memory_space<hbm>>, %arg3: memref<8x1x4096xi32, #tpu.memory_space<hbm>>, %arg4: memref<8x64x4096xf32, #tpu.memory_space<hbm>>, %arg5: memref<16x1024xf32, #tpu.memory_space<vmem>>, %arg6: memref<4096xi32, #tpu.memory_space<vmem>>, %arg7: memref<16x4096xf32, #tpu.memory_space<vmem>>, %arg8: memref<!tpu.dma_semaphore, #tpu.memory_space<semaphore_mem>>, %arg9: memref<!tpu.dma_semaphore, #tpu.memory_space<semaphore_mem>>) attributes {dimension_semantics = [#tpu.dimension_semantics<core_parallel>, #tpu.dimension_semantics<subcore_parallel>], iteration_bounds = array<i64: 2, 16>, scalar_prefetch = 0 : i64, scratch_operands = 5 : i64, tpu.core_type = #tpu.core_type<sc_vector_subcore>, window_params = [{transform_indices = #map}, {transform_indices = #map1}, {transform_indices = #map1}]} {
    %mul3A = arith.constant 2 : i32
    %mul3A_0 = arith.muli %arg1, %mul3A : i32
    %add3A = arith.addi %mul3A_0, %arg0 : i32
    %jit3A = arith.constant 4 : i32
    %div3A = arith.divsi %add3A, %jit3A : i32
    %sign3A = arith.constant 0 : i32
    %sign3A_1 = arith.cmpi sgt, %add3A, %sign3A : i32
    %sign3A_2 = arith.extui %sign3A_1 : i1 to i32
    %sign3A_3 = arith.constant 0 : i32
    %sign3A_4 = arith.cmpi slt, %add3A, %sign3A_3 : i32
    %sign3A_5 = arith.extui %sign3A_4 : i1 to i32
    %sign3A_6 = arith.subi %sign3A_2, %sign3A_5 : i32
    %sign3A_7 = arith.constant 0 : i32
    %sign3A_8 = arith.cmpi sgt, %jit3A, %sign3A_7 : i32
    %sign3A_9 = arith.extui %sign3A_8 : i1 to i32
    %sign3A_10 = arith.constant 0 : i32
    %sign3A_11 = arith.cmpi slt, %jit3A, %sign3A_10 : i32
    %sign3A_12 = arith.extui %sign3A_11 : i1 to i32
    %sign3A_13 = arith.subi %sign3A_9, %sign3A_12 : i32
    %ne3A = arith.cmpi ne, %sign3A_6, %sign3A_13 : i32
    %rem3A = arith.remsi %add3A, %jit3A : i32
    %ne3A_14 = arith.constant 0 : i32
    %ne3A_15 = arith.cmpi ne, %rem3A, %ne3A_14 : i32
    %and3A = arith.andi %ne3A, %ne3A_15 : i1
    %sub3A = arith.constant 1 : i32
    %sub3A_16 = arith.subi %div3A, %sub3A : i32
    %select_n3A = arith.select %and3A, %sub3A_16, %div3A : i32
    %jit3A_17 = arith.constant 4 : i32
    %eq3A = arith.constant 0 : i32
    %eq3A_18 = arith.cmpi eq, %jit3A_17, %eq3A : i32
    %jit3A_19 = arith.constant 1 : i32
    %select_n3A_20 = arith.select %eq3A_18, %jit3A_19, %jit3A_17 : i32
    %rem3A_21 = arith.remsi %add3A, %select_n3A_20 : i32
    %ne3A_22 = arith.constant 0 : i32
    %ne3A_23 = arith.cmpi ne, %rem3A_21, %ne3A_22 : i32
    %lt3A = arith.constant 0 : i32
    %lt3A_24 = arith.cmpi slt, %rem3A_21, %lt3A : i32
    %lt3A_25 = arith.constant 0 : i32
    %lt3A_26 = arith.cmpi slt, %select_n3A_20, %lt3A_25 : i32
    %ne3A_27 = arith.xori %lt3A_24, %lt3A_26 : i1
    %and3A_28 = arith.andi %ne3A_27, %ne3A_23 : i1
    %add3A_29 = arith.addi %rem3A_21, %select_n3A_20 : i32
    %select_n3A_30 = arith.select %and3A_28, %add3A_29, %rem3A_21 : i32
    %mul3A_31 = arith.constant 16 : i32
    %mul3A_32 = arith.muli %select_n3A_30, %mul3A_31 : i32
    %dma_start3A = arith.constant 0 : i32
    %dma_start3A_33 = tpu.memref_slice %arg2[%mul3A_32, %dma_start3A] : memref<64x1024xf32, #tpu.memory_space<hbm>> -> memref<16x1024xf32, #tpu.memory_space<hbm>>
    %dma_start3A_34 = arith.constant 0 : i32
    %dma_start3A_35 = tpu.memref_slice %arg2[%mul3A_32, %dma_start3A_34] : memref<64x1024xf32, #tpu.memory_space<hbm>> -> memref<16x1024xf32, #tpu.memory_space<hbm>>
    tpu.enqueue_dma source(%dma_start3A_35 : memref<16x1024xf32, #tpu.memory_space<hbm>>) target(%arg5 : memref<16x1024xf32, #tpu.memory_space<vmem>>) target_semaphore(%arg8 : memref<!tpu.dma_semaphore, #tpu.memory_space<semaphore_mem>>)
    %dma_start3A_36 = arith.constant 0 : i32
    %dma_start3A_37 = arith.constant 0 : i32
    %dma_start3A_38 = tpu.memref_slice %arg3[%select_n3A, %dma_start3A_36, %dma_start3A_37] : memref<8x1x4096xi32, #tpu.memory_space<hbm>> -> memref<1x1x4096xi32, #tpu.memory_space<hbm>>
    %dma_start3A_39 = tpu.memref_squeeze %dma_start3A_38 : memref<1x1x4096xi32, #tpu.memory_space<hbm>> -> memref<4096xi32, #tpu.memory_space<hbm>>
    %dma_start3A_40 = arith.constant 0 : i32
    %dma_start3A_41 = tpu.memref_slice %arg3[%select_n3A, %dma_start3A_36, %dma_start3A_40] : memref<8x1x4096xi32, #tpu.memory_space<hbm>> -> memref<1x1x4096xi32, #tpu.memory_space<hbm>>
    %dma_start3A_42 = tpu.memref_squeeze %dma_start3A_41 : memref<1x1x4096xi32, #tpu.memory_space<hbm>> -> memref<4096xi32, #tpu.memory_space<hbm>>
    tpu.enqueue_dma source(%dma_start3A_42 : memref<4096xi32, #tpu.memory_space<hbm>>) target(%arg6 : memref<4096xi32, #tpu.memory_space<vmem>>) target_semaphore(%arg9 : memref<!tpu.dma_semaphore, #tpu.memory_space<semaphore_mem>>)
    %dma_wait3A = arith.constant 0 : i32
    %dma_wait3A_43 = tpu.memref_slice %arg2[%mul3A_32, %dma_wait3A] : memref<64x1024xf32, #tpu.memory_space<hbm>> -> memref<16x1024xf32, #tpu.memory_space<hbm>>
    %dma_wait3A_44 = arith.constant 0 : i32
    %dma_wait3A_45 = tpu.memref_slice %arg2[%mul3A_32, %dma_wait3A_44] : memref<64x1024xf32, #tpu.memory_space<hbm>> -> memref<16x1024xf32, #tpu.memory_space<hbm>>
    tpu.wait_dma2 semaphore(%arg8 : memref<!tpu.dma_semaphore, #tpu.memory_space<semaphore_mem>>) src(%dma_wait3A_45 : memref<16x1024xf32, #tpu.memory_space<hbm>>) dst(%arg5 : memref<16x1024xf32, #tpu.memory_space<vmem>>)
    %dma_wait3A_46 = arith.constant 0 : i32
    %dma_wait3A_47 = arith.constant 0 : i32
    %dma_wait3A_48 = tpu.memref_slice %arg3[%select_n3A, %dma_wait3A_46, %dma_wait3A_47] : memref<8x1x4096xi32, #tpu.memory_space<hbm>> -> memref<1x1x4096xi32, #tpu.memory_space<hbm>>
    %dma_wait3A_49 = tpu.memref_squeeze %dma_wait3A_48 : memref<1x1x4096xi32, #tpu.memory_space<hbm>> -> memref<4096xi32, #tpu.memory_space<hbm>>
    %dma_wait3A_50 = arith.constant 0 : i32
    %dma_wait3A_51 = tpu.memref_slice %arg3[%select_n3A, %dma_wait3A_46, %dma_wait3A_50] : memref<8x1x4096xi32, #tpu.memory_space<hbm>> -> memref<1x1x4096xi32, #tpu.memory_space<hbm>>
    %dma_wait3A_52 = tpu.memref_squeeze %dma_wait3A_51 : memref<1x1x4096xi32, #tpu.memory_space<hbm>> -> memref<4096xi32, #tpu.memory_space<hbm>>
    tpu.wait_dma2 semaphore(%arg9 : memref<!tpu.dma_semaphore, #tpu.memory_space<semaphore_mem>>) src(%dma_wait3A_52 : memref<4096xi32, #tpu.memory_space<hbm>>) dst(%arg6 : memref<4096xi32, #tpu.memory_space<vmem>>)
    %parallel_loop3A = arith.constant 0 : i32
    %parallel_loop3A_53 = arith.constant 256 : i32
    %parallel_loop3A_54 = arith.constant 1 : i32
    scf.for %parallel_loop3A_535 = %parallel_loop3A to %parallel_loop3A_53 step %parallel_loop3A_54  : i32 {
      %parallel_loop3A_536 = arith.constant 16 : i32
      %parallel_loop3A_537 = arith.muli %parallel_loop3A_535, %parallel_loop3A_536 : i32
      %parallel_loop3A_538 = arith.index_cast %parallel_loop3A_537 : i32 to index
      %parallel_loop3A_539 = tpu.vector_load %arg6[%parallel_loop3A_538] {strides = array<i32>} : memref<4096xi32, #tpu.memory_space<vmem>>, vector<16xi32>,
      %parallel_loop3A_540 = arith.constant 0 : i32
      %parallel_loop3A_541 = vector.broadcast %parallel_loop3A_540 : i32 to vector<16xi32>
      %parallel_loop3A_542 = arith.constant 0 : i32
      %parallel_loop3A_543 = vector.broadcast %parallel_loop3A_542 : i32 to vector<16xi32>
      %parallel_loop3A_544 = arith.addi %parallel_loop3A_541, %parallel_loop3A_543 : vector<16xi32>
      %parallel_loop3A_545 = tpu.vector_load_idx %arg5[%parallel_loop3A_544, %parallel_loop3A_539] : memref<16x1024xf32, #tpu.memory_space<vmem>>[vector<16xi32>, vector<16xi32>], vector<16xf32>,
      %parallel_loop3A_546 = arith.constant 16 : i32
      %parallel_loop3A_547 = arith.muli %parallel_loop3A_535, %parallel_loop3A_546 : i32
      %parallel_loop3A_548 = arith.constant 0 : i32
      %parallel_loop3A_549 = arith.index_cast %parallel_loop3A_548 : i32 to index
      %parallel_loop3A_550 = arith.index_cast %parallel_loop3A_547 : i32 to index
      %parallel_loop3A_551 = tpu.vector_load %arg7[%parallel_loop3A_549, %parallel_loop3A_550] {strides = array<i32>} : memref<16x4096xf32, #tpu.memory_space<vmem>>, vector<16xf32>,
      tpu.vector_store %arg7[%parallel_loop3A_549, %parallel_loop3A_550], %parallel_loop3A_545 {strides = array<i32>} : memref<16x4096xf32, #tpu.memory_space<vmem>>, vector<16xf32>,
      %parallel_loop3A_552 = arith.constant 0 : i32
      %parallel_loop3A_553 = vector.broadcast %parallel_loop3A_552 : i32 to vector<16xi32>
      %parallel_loop3A_554 = arith.constant 1 : i32
      %parallel_loop3A_555 = vector.broadcast %parallel_loop3A_554 : i32 to vector<16xi32>
      %parallel_loop3A_556 = arith.addi %parallel_loop3A_553, %parallel_loop3A_555 : vector<16xi32>
      %parallel_loop3A_557 = tpu.vector_load_idx %arg5[%parallel_loop3A_556, %parallel_loop3A_539] : memref<16x1024xf32, #tpu.memory_space<vmem>>[vector<16xi32>, vector<16xi32>], vector<16xf32>,
      %parallel_loop3A_558 = arith.constant 16 : i32
      %parallel_loop3A_559 = arith.muli %parallel_loop3A_535, %parallel_loop3A_558 : i32
      %parallel_loop3A_560 = arith.constant 1 : i32
      %parallel_loop3A_561 = arith.index_cast %parallel_loop3A_560 : i32 to index
      %parallel_loop3A_562 = arith.index_cast %parallel_loop3A_559 : i32 to index
      %parallel_loop3A_563 = tpu.vector_load %arg7[%parallel_loop3A_561, %parallel_loop3A_562] {strides = array<i32>} : memref<16x4096xf32, #tpu.memory_space<vmem>>, vector<16xf32>,
      tpu.vector_store %arg7[%parallel_loop3A_561, %parallel_loop3A_562], %parallel_loop3A_557 {strides = array<i32>} : memref<16x4096xf32, #tpu.memory_space<vmem>>, vector<16xf32>,
      %parallel_loop3A_564 = arith.constant 0 : i32
      %parallel_loop3A_565 = vector.broadcast %parallel_loop3A_564 : i32 to vector<16xi32>
      %parallel_loop3A_566 = arith.constant 2 : i32
      %parallel_loop3A_567 = vector.broadcast %parallel_loop3A_566 : i32 to vector<16xi32>
      %parallel_loop3A_568 = arith.addi %parallel_loop3A_565, %parallel_loop3A_567 : vector<16xi32>
      %parallel_loop3A_569 = tpu.vector_load_idx %arg5[%parallel_loop3A_568, %parallel_loop3A_539] : memref<16x1024xf32, #tpu.memory_space<vmem>>[vector<16xi32>, vector<16xi32>], vector<16xf32>,
      %parallel_loop3A_570 = arith.constant 16 : i32
      %parallel_loop3A_571 = arith.muli %parallel_loop3A_535, %parallel_loop3A_570 : i32
      %parallel_loop3A_572 = arith.constant 2 : i32
      %parallel_loop3A_573 = arith.index_cast %parallel_loop3A_572 : i32 to index
      %parallel_loop3A_574 = arith.index_cast %parallel_loop3A_571 : i32 to index
      %parallel_loop3A_575 = tpu.vector_load %arg7[%parallel_loop3A_573, %parallel_loop3A_574] {strides = array<i32>} : memref<16x4096xf32, #tpu.memory_space<vmem>>, vector<16xf32>,
      tpu.vector_store %arg7[%parallel_loop3A_573, %parallel_loop3A_574], %parallel_loop3A_569 {strides = array<i32>} : memref<16x4096xf32, #tpu.memory_space<vmem>>, vector<16xf32>,
      %parallel_loop3A_576 = arith.constant 0 : i32
      %parallel_loop3A_577 = vector.broadcast %parallel_loop3A_576 : i32 to vector<16xi32>
      %parallel_loop3A_578 = arith.constant 3 : i32
      %parallel_loop3A_579 = vector.broadcast %parallel_loop3A_578 : i32 to vector<16xi32>
      %parallel_loop3A_580 = arith.addi %parallel_loop3A_577, %parallel_loop3A_579 : vector<16xi32>
      %parallel_loop3A_581 = tpu.vector_load_idx %arg5[%parallel_loop3A_580, %parallel_loop3A_539] : memref<16x1024xf32, #tpu.memory_space<vmem>>[vector<16xi32>, vector<16xi32>], vector<16xf32>,
      %parallel_loop3A_582 = arith.constant 16 : i32
      %parallel_loop3A_583 = arith.muli %parallel_loop3A_535, %parallel_loop3A_582 : i32
      %parallel_loop3A_584 = arith.constant 3 : i32
      %parallel_loop3A_585 = arith.index_cast %parallel_loop3A_584 : i32 to index
      %parallel_loop3A_586 = arith.index_cast %parallel_loop3A_583 : i32 to index
      %parallel_loop3A_587 = tpu.vector_load %arg7[%parallel_loop3A_585, %parallel_loop3A_586] {strides = array<i32>} : memref<16x4096xf32, #tpu.memory_space<vmem>>, vector<16xf32>,
      tpu.vector_store %arg7[%parallel_loop3A_585, %parallel_loop3A_586], %parallel_loop3A_581 {strides = array<i32>} : memref<16x4096xf32, #tpu.memory_space<vmem>>, vector<16xf32>,
      %parallel_loop3A_588 = arith.constant 0 : i32
      %parallel_loop3A_589 = vector.broadcast %parallel_loop3A_588 : i32 to vector<16xi32>
      %parallel_loop3A_590 = arith.constant 4 : i32
      %parallel_loop3A_591 = vector.broadcast %parallel_loop3A_590 : i32 to vector<16xi32>
      %parallel_loop3A_592 = arith.addi %parallel_loop3A_589, %parallel_loop3A_591 : vector<16xi32>
      %parallel_loop3A_593 = tpu.vector_load_idx %arg5[%parallel_loop3A_592, %parallel_loop3A_539] : memref<16x1024xf32, #tpu.memory_space<vmem>>[vector<16xi32>, vector<16xi32>], vector<16xf32>,
      %parallel_loop3A_594 = arith.constant 16 : i32
      %parallel_loop3A_595 = arith.muli %parallel_loop3A_535, %parallel_loop3A_594 : i32
      %parallel_loop3A_596 = arith.constant 4 : i32
      %parallel_loop3A_597 = arith.index_cast %parallel_loop3A_596 : i32 to index
      %parallel_loop3A_598 = arith.index_cast %parallel_loop3A_595 : i32 to index
      %parallel_loop3A_599 = tpu.vector_load %arg7[%parallel_loop3A_597, %parallel_loop3A_598] {strides = array<i32>} : memref<16x4096xf32, #tpu.memory_space<vmem>>, vector<16xf32>,
      tpu.vector_store %arg7[%parallel_loop3A_597, %parallel_loop3A_598], %parallel_loop3A_593 {strides = array<i32>} : memref<16x4096xf32, #tpu.memory_space<vmem>>, vector<16xf32>,
      %parallel_loop3A_600 = arith.constant 0 : i32
      %parallel_loop3A_601 = vector.broadcast %parallel_loop3A_600 : i32 to vector<16xi32>
      %parallel_loop3A_602 = arith.constant 5 : i32
      %parallel_loop3A_603 = vector.broadcast %parallel_loop3A_602 : i32 to vector<16xi32>
      %parallel_loop3A_604 = arith.addi %parallel_loop3A_601, %parallel_loop3A_603 : vector<16xi32>
      %parallel_loop3A_605 = tpu.vector_load_idx %arg5[%parallel_loop3A_604, %parallel_loop3A_539] : memref<16x1024xf32, #tpu.memory_space<vmem>>[vector<16xi32>, vector<16xi32>], vector<16xf32>,
      %parallel_loop3A_606 = arith.constant 16 : i32
      %parallel_loop3A_607 = arith.muli %parallel_loop3A_535, %parallel_loop3A_606 : i32
      %parallel_loop3A_608 = arith.constant 5 : i32
      %parallel_loop3A_609 = arith.index_cast %parallel_loop3A_608 : i32 to index
      %parallel_loop3A_610 = arith.index_cast %parallel_loop3A_607 : i32 to index
      %parallel_loop3A_611 = tpu.vector_load %arg7[%parallel_loop3A_609, %parallel_loop3A_610] {strides = array<i32>} : memref<16x4096xf32, #tpu.memory_space<vmem>>, vector<16xf32>,
      tpu.vector_store %arg7[%parallel_loop3A_609, %parallel_loop3A_610], %parallel_loop3A_605 {strides = array<i32>} : memref<16x4096xf32, #tpu.memory_space<vmem>>, vector<16xf32>,
      %parallel_loop3A_612 = arith.constant 0 : i32
      %parallel_loop3A_613 = vector.broadcast %parallel_loop3A_612 : i32 to vector<16xi32>
      %parallel_loop3A_614 = arith.constant 6 : i32
      %parallel_loop3A_615 = vector.broadcast %parallel_loop3A_614 : i32 to vector<16xi32>
      %parallel_loop3A_616 = arith.addi %parallel_loop3A_613, %parallel_loop3A_615 : vector<16xi32>
      %parallel_loop3A_617 = tpu.vector_load_idx %arg5[%parallel_loop3A_616, %parallel_loop3A_539] : memref<16x1024xf32, #tpu.memory_space<vmem>>[vector<16xi32>, vector<16xi32>], vector<16xf32>,
      %parallel_loop3A_618 = arith.constant 16 : i32
      %parallel_loop3A_619 = arith.muli %parallel_loop3A_535, %parallel_loop3A_618 : i32
      %parallel_loop3A_620 = arith.constant 6 : i32
      %parallel_loop3A_621 = arith.index_cast %parallel_loop3A_620 : i32 to index
      %parallel_loop3A_622 = arith.index_cast %parallel_loop3A_619 : i32 to index
      %parallel_loop3A_623 = tpu.vector_load %arg7[%parallel_loop3A_621, %parallel_loop3A_622] {strides = array<i32>} : memref<16x4096xf32, #tpu.memory_space<vmem>>, vector<16xf32>,
      tpu.vector_store %arg7[%parallel_loop3A_621, %parallel_loop3A_622], %parallel_loop3A_617 {strides = array<i32>} : memref<16x4096xf32, #tpu.memory_space<vmem>>, vector<16xf32>,
      %parallel_loop3A_624 = arith.constant 0 : i32
      %parallel_loop3A_625 = vector.broadcast %parallel_loop3A_624 : i32 to vector<16xi32>
      %parallel_loop3A_626 = arith.constant 7 : i32
      %parallel_loop3A_627 = vector.broadcast %parallel_loop3A_626 : i32 to vector<16xi32>
      %parallel_loop3A_628 = arith.addi %parallel_loop3A_625, %parallel_loop3A_627 : vector<16xi32>
      %parallel_loop3A_629 = tpu.vector_load_idx %arg5[%parallel_loop3A_628, %parallel_loop3A_539] : memref<16x1024xf32, #tpu.memory_space<vmem>>[vector<16xi32>, vector<16xi32>], vector<16xf32>,
      %parallel_loop3A_630 = arith.constant 16 : i32
      %parallel_loop3A_631 = arith.muli %parallel_loop3A_535, %parallel_loop3A_630 : i32
      %parallel_loop3A_632 = arith.constant 7 : i32
      %parallel_loop3A_633 = arith.index_cast %parallel_loop3A_632 : i32 to index
      %parallel_loop3A_634 = arith.index_cast %parallel_loop3A_631 : i32 to index
      %parallel_loop3A_635 = tpu.vector_load %arg7[%parallel_loop3A_633, %parallel_loop3A_634] {strides = array<i32>} : memref<16x4096xf32, #tpu.memory_space<vmem>>, vector<16xf32>,
      tpu.vector_store %arg7[%parallel_loop3A_633, %parallel_loop3A_634], %parallel_loop3A_629 {strides = array<i32>} : memref<16x4096xf32, #tpu.memory_space<vmem>>, vector<16xf32>,
      %parallel_loop3A_636 = arith.constant 0 : i32
      %parallel_loop3A_637 = vector.broadcast %parallel_loop3A_636 : i32 to vector<16xi32>
      %parallel_loop3A_638 = arith.constant 8 : i32
      %parallel_loop3A_639 = vector.broadcast %parallel_loop3A_638 : i32 to vector<16xi32>
      %parallel_loop3A_640 = arith.addi %parallel_loop3A_637, %parallel_loop3A_639 : vector<16xi32>
      %parallel_loop3A_641 = tpu.vector_load_idx %arg5[%parallel_loop3A_640, %parallel_loop3A_539] : memref<16x1024xf32, #tpu.memory_space<vmem>>[vector<16xi32>, vector<16xi32>], vector<16xf32>,
      %parallel_loop3A_642 = arith.constant 16 : i32
      %parallel_loop3A_643 = arith.muli %parallel_loop3A_535, %parallel_loop3A_642 : i32
      %parallel_loop3A_644 = arith.constant 8 : i32
      %parallel_loop3A_645 = arith.index_cast %parallel_loop3A_644 : i32 to index
      %parallel_loop3A_646 = arith.index_cast %parallel_loop3A_643 : i32 to index
      %parallel_loop3A_647 = tpu.vector_load %arg7[%parallel_loop3A_645, %parallel_loop3A_646] {strides = array<i32>} : memref<16x4096xf32, #tpu.memory_space<vmem>>, vector<16xf32>,
      tpu.vector_store %arg7[%parallel_loop3A_645, %parallel_loop3A_646], %parallel_loop3A_641 {strides = array<i32>} : memref<16x4096xf32, #tpu.memory_space<vmem>>, vector<16xf32>,
      %parallel_loop3A_648 = arith.constant 0 : i32
      %parallel_loop3A_649 = vector.broadcast %parallel_loop3A_648 : i32 to vector<16xi32>
      %parallel_loop3A_650 = arith.constant 9 : i32
      %parallel_loop3A_651 = vector.broadcast %parallel_loop3A_650 : i32 to vector<16xi32>
      %parallel_loop3A_652 = arith.addi %parallel_loop3A_649, %parallel_loop3A_651 : vector<16xi32>
      %parallel_loop3A_653 = tpu.vector_load_idx %arg5[%parallel_loop3A_652, %parallel_loop3A_539] : memref<16x1024xf32, #tpu.memory_space<vmem>>[vector<16xi32>, vector<16xi32>], vector<16xf32>,
      %parallel_loop3A_654 = arith.constant 16 : i32
      %parallel_loop3A_655 = arith.muli %parallel_loop3A_535, %parallel_loop3A_654 : i32
      %parallel_loop3A_656 = arith.constant 9 : i32
      %parallel_loop3A_657 = arith.index_cast %parallel_loop3A_656 : i32 to index
      %parallel_loop3A_658 = arith.index_cast %parallel_loop3A_655 : i32 to index
      %parallel_loop3A_659 = tpu.vector_load %arg7[%parallel_loop3A_657, %parallel_loop3A_658] {strides = array<i32>} : memref<16x4096xf32, #tpu.memory_space<vmem>>, vector<16xf32>,
      tpu.vector_store %arg7[%parallel_loop3A_657, %parallel_loop3A_658], %parallel_loop3A_653 {strides = array<i32>} : memref<16x4096xf32, #tpu.memory_space<vmem>>, vector<16xf32>,
      %parallel_loop3A_660 = arith.constant 0 : i32
      %parallel_loop3A_661 = vector.broadcast %parallel_loop3A_660 : i32 to vector<16xi32>
      %parallel_loop3A_662 = arith.constant 10 : i32
      %parallel_loop3A_663 = vector.broadcast %parallel_loop3A_662 : i32 to vector<16xi32>
      %parallel_loop3A_664 = arith.addi %parallel_loop3A_661, %parallel_loop3A_663 : vector<16xi32>
      %parallel_loop3A_665 = tpu.vector_load_idx %arg5[%parallel_loop3A_664, %parallel_loop3A_539] : memref<16x1024xf32, #tpu.memory_space<vmem>>[vector<16xi32>, vector<16xi32>], vector<16xf32>,
      %parallel_loop3A_666 = arith.constant 16 : i32
      %parallel_loop3A_667 = arith.muli %parallel_loop3A_535, %parallel_loop3A_666 : i32
      %parallel_loop3A_668 = arith.constant 10 : i32
      %parallel_loop3A_669 = arith.index_cast %parallel_loop3A_668 : i32 to index
      %parallel_loop3A_670 = arith.index_cast %parallel_loop3A_667 : i32 to index
      %parallel_loop3A_671 = tpu.vector_load %arg7[%parallel_loop3A_669, %parallel_loop3A_670] {strides = array<i32>} : memref<16x4096xf32, #tpu.memory_space<vmem>>, vector<16xf32>,
      tpu.vector_store %arg7[%parallel_loop3A_669, %parallel_loop3A_670], %parallel_loop3A_665 {strides = array<i32>} : memref<16x4096xf32, #tpu.memory_space<vmem>>, vector<16xf32>,
      %parallel_loop3A_672 = arith.constant 0 : i32
      %parallel_loop3A_673 = vector.broadcast %parallel_loop3A_672 : i32 to vector<16xi32>
      %parallel_loop3A_674 = arith.constant 11 : i32
      %parallel_loop3A_675 = vector.broadcast %parallel_loop3A_674 : i32 to vector<16xi32>
      %parallel_loop3A_676 = arith.addi %parallel_loop3A_673, %parallel_loop3A_675 : vector<16xi32>
      %parallel_loop3A_677 = tpu.vector_load_idx %arg5[%parallel_loop3A_676, %parallel_loop3A_539] : memref<16x1024xf32, #tpu.memory_space<vmem>>[vector<16xi32>, vector<16xi32>], vector<16xf32>,
      %parallel_loop3A_678 = arith.constant 16 : i32
      %parallel_loop3A_679 = arith.muli %parallel_loop3A_535, %parallel_loop3A_678 : i32
      %parallel_loop3A_680 = arith.constant 11 : i32
      %parallel_loop3A_681 = arith.index_cast %parallel_loop3A_680 : i32 to index
      %parallel_loop3A_682 = arith.index_cast %parallel_loop3A_679 : i32 to index
      %parallel_loop3A_683 = tpu.vector_load %arg7[%parallel_loop3A_681, %parallel_loop3A_682] {strides = array<i32>} : memref<16x4096xf32, #tpu.memory_space<vmem>>, vector<16xf32>,
      tpu.vector_store %arg7[%parallel_loop3A_681, %parallel_loop3A_682], %parallel_loop3A_677 {strides = array<i32>} : memref<16x4096xf32, #tpu.memory_space<vmem>>, vector<16xf32>,
      %parallel_loop3A_684 = arith.constant 0 : i32
      %parallel_loop3A_685 = vector.broadcast %parallel_loop3A_684 : i32 to vector<16xi32>
      %parallel_loop3A_686 = arith.constant 12 : i32
      %parallel_loop3A_687 = vector.broadcast %parallel_loop3A_686 : i32 to vector<16xi32>
      %parallel_loop3A_688 = arith.addi %parallel_loop3A_685, %parallel_loop3A_687 : vector<16xi32>
      %parallel_loop3A_689 = tpu.vector_load_idx %arg5[%parallel_loop3A_688, %parallel_loop3A_539] : memref<16x1024xf32, #tpu.memory_space<vmem>>[vector<16xi32>, vector<16xi32>], vector<16xf32>,
      %parallel_loop3A_690 = arith.constant 16 : i32
      %parallel_loop3A_691 = arith.muli %parallel_loop3A_535, %parallel_loop3A_690 : i32
      %parallel_loop3A_692 = arith.constant 12 : i32
      %parallel_loop3A_693 = arith.index_cast %parallel_loop3A_692 : i32 to index
      %parallel_loop3A_694 = arith.index_cast %parallel_loop3A_691 : i32 to index
      %parallel_loop3A_695 = tpu.vector_load %arg7[%parallel_loop3A_693, %parallel_loop3A_694] {strides = array<i32>} : memref<16x4096xf32, #tpu.memory_space<vmem>>, vector<16xf32>,
      tpu.vector_store %arg7[%parallel_loop3A_693, %parallel_loop3A_694], %parallel_loop3A_689 {strides = array<i32>} : memref<16x4096xf32, #tpu.memory_space<vmem>>, vector<16xf32>,
      %parallel_loop3A_696 = arith.constant 0 : i32
      %parallel_loop3A_697 = vector.broadcast %parallel_loop3A_696 : i32 to vector<16xi32>
      %parallel_loop3A_698 = arith.constant 13 : i32
      %parallel_loop3A_699 = vector.broadcast %parallel_loop3A_698 : i32 to vector<16xi32>
      %parallel_loop3A_700 = arith.addi %parallel_loop3A_697, %parallel_loop3A_699 : vector<16xi32>
      %parallel_loop3A_701 = tpu.vector_load_idx %arg5[%parallel_loop3A_700, %parallel_loop3A_539] : memref<16x1024xf32, #tpu.memory_space<vmem>>[vector<16xi32>, vector<16xi32>], vector<16xf32>,
      %parallel_loop3A_702 = arith.constant 16 : i32
      %parallel_loop3A_703 = arith.muli %parallel_loop3A_535, %parallel_loop3A_702 : i32
      %parallel_loop3A_704 = arith.constant 13 : i32
      %parallel_loop3A_705 = arith.index_cast %parallel_loop3A_704 : i32 to index
      %parallel_loop3A_706 = arith.index_cast %parallel_loop3A_703 : i32 to index
      %parallel_loop3A_707 = tpu.vector_load %arg7[%parallel_loop3A_705, %parallel_loop3A_706] {strides = array<i32>} : memref<16x4096xf32, #tpu.memory_space<vmem>>, vector<16xf32>,
      tpu.vector_store %arg7[%parallel_loop3A_705, %parallel_loop3A_706], %parallel_loop3A_701 {strides = array<i32>} : memref<16x4096xf32, #tpu.memory_space<vmem>>, vector<16xf32>,
      %parallel_loop3A_708 = arith.constant 0 : i32
      %parallel_loop3A_709 = vector.broadcast %parallel_loop3A_708 : i32 to vector<16xi32>
      %parallel_loop3A_710 = arith.constant 14 : i32
      %parallel_loop3A_711 = vector.broadcast %parallel_loop3A_710 : i32 to vector<16xi32>
      %parallel_loop3A_712 = arith.addi %parallel_loop3A_709, %parallel_loop3A_711 : vector<16xi32>
      %parallel_loop3A_713 = tpu.vector_load_idx %arg5[%parallel_loop3A_712, %parallel_loop3A_539] : memref<16x1024xf32, #tpu.memory_space<vmem>>[vector<16xi32>, vector<16xi32>], vector<16xf32>,
      %parallel_loop3A_714 = arith.constant 16 : i32
      %parallel_loop3A_715 = arith.muli %parallel_loop3A_535, %parallel_loop3A_714 : i32
      %parallel_loop3A_716 = arith.constant 14 : i32
      %parallel_loop3A_717 = arith.index_cast %parallel_loop3A_716 : i32 to index
      %parallel_loop3A_718 = arith.index_cast %parallel_loop3A_715 : i32 to index
      %parallel_loop3A_719 = tpu.vector_load %arg7[%parallel_loop3A_717, %parallel_loop3A_718] {strides = array<i32>} : memref<16x4096xf32, #tpu.memory_space<vmem>>, vector<16xf32>,
      tpu.vector_store %arg7[%parallel_loop3A_717, %parallel_loop3A_718], %parallel_loop3A_713 {strides = array<i32>} : memref<16x4096xf32, #tpu.memory_space<vmem>>, vector<16xf32>,
      %parallel_loop3A_720 = arith.constant 0 : i32
      %parallel_loop3A_721 = vector.broadcast %parallel_loop3A_720 : i32 to vector<16xi32>
      %parallel_loop3A_722 = arith.constant 15 : i32
      %parallel_loop3A_723 = vector.broadcast %parallel_loop3A_722 : i32 to vector<16xi32>
      %parallel_loop3A_724 = arith.addi %parallel_loop3A_721, %parallel_loop3A_723 : vector<16xi32>
      %parallel_loop3A_725 = tpu.vector_load_idx %arg5[%parallel_loop3A_724, %parallel_loop3A_539] : memref<16x1024xf32, #tpu.memory_space<vmem>>[vector<16xi32>, vector<16xi32>], vector<16xf32>,
      %parallel_loop3A_726 = arith.constant 16 : i32
      %parallel_loop3A_727 = arith.muli %parallel_loop3A_535, %parallel_loop3A_726 : i32
      %parallel_loop3A_728 = arith.constant 15 : i32
      %parallel_loop3A_729 = arith.index_cast %parallel_loop3A_728 : i32 to index
      %parallel_loop3A_730 = arith.index_cast %parallel_loop3A_727 : i32 to index
      %parallel_loop3A_731 = tpu.vector_load %arg7[%parallel_loop3A_729, %parallel_loop3A_730] {strides = array<i32>} : memref<16x4096xf32, #tpu.memory_space<vmem>>, vector<16xf32>,
      tpu.vector_store %arg7[%parallel_loop3A_729, %parallel_loop3A_730], %parallel_loop3A_725 {strides = array<i32>} : memref<16x4096xf32, #tpu.memory_space<vmem>>, vector<16xf32>,
    } {sc.loop_unroll_factor = 4 : i64, sc.parallel_access}
    %mul3A_55 = arith.constant 16 : i32
    %mul3A_56 = arith.muli %select_n3A_30, %mul3A_55 : i32
    %add3A_57 = arith.constant 0 : i32
    %add3A_58 = arith.addi %mul3A_56, %add3A_57 : i32
    %dma_start3A_59 = arith.constant 0 : i32
    %dma_start3A_60 = arith.constant 0 : i32
    %dma_start3A_61 = tpu.memref_slice %arg7[%dma_start3A_59, %dma_start3A_60] : memref<16x4096xf32, #tpu.memory_space<vmem>> -> memref<1x4096xf32, #tpu.memory_space<vmem>>
    %dma_start3A_62 = tpu.memref_squeeze %dma_start3A_61 : memref<1x4096xf32, #tpu.memory_space<vmem>> -> memref<4096xf32, #tpu.memory_space<vmem>>
    %dma_start3A_63 = arith.constant 0 : i32
    %dma_start3A_64 = tpu.memref_slice %arg4[%select_n3A, %add3A_58, %dma_start3A_63] : memref<8x64x4096xf32, #tpu.memory_space<hbm>> -> memref<1x1x4096xf32, #tpu.memory_space<hbm>>
    %dma_start3A_65 = tpu.memref_squeeze %dma_start3A_64 : memref<1x1x4096xf32, #tpu.memory_space<hbm>> -> memref<4096xf32, #tpu.memory_space<hbm>>
    %dma_start3A_66 = arith.constant 0 : i32
    %dma_start3A_67 = tpu.memref_slice %arg4[%select_n3A, %add3A_58, %dma_start3A_66] : memref<8x64x4096xf32, #tpu.memory_space<hbm>> -> memref<1x1x4096xf32, #tpu.memory_space<hbm>>
    %dma_start3A_68 = tpu.memref_squeeze %dma_start3A_67 : memref<1x1x4096xf32, #tpu.memory_space<hbm>> -> memref<4096xf32, #tpu.memory_space<hbm>>
    %dma_start3A_69 = arith.constant 0 : i32
    %dma_start3A_70 = tpu.memref_slice %arg7[%dma_start3A_59, %dma_start3A_69] : memref<16x4096xf32, #tpu.memory_space<vmem>> -> memref<1x4096xf32, #tpu.memory_space<vmem>>
    %dma_start3A_71 = tpu.memref_squeeze %dma_start3A_70 : memref<1x4096xf32, #tpu.memory_space<vmem>> -> memref<4096xf32, #tpu.memory_space<vmem>>
    tpu.enqueue_dma source(%dma_start3A_71 : memref<4096xf32, #tpu.memory_space<vmem>>) target(%dma_start3A_68 : memref<4096xf32, #tpu.memory_space<hbm>>) target_semaphore(%arg8 : memref<!tpu.dma_semaphore, #tpu.memory_space<semaphore_mem>>)
    %mul3A_72 = arith.constant 16 : i32
    %mul3A_73 = arith.muli %select_n3A_30, %mul3A_72 : i32
    %add3A_74 = arith.constant 1 : i32
    %add3A_75 = arith.addi %mul3A_73, %add3A_74 : i32
    %dma_start3A_76 = arith.constant 1 : i32
    %dma_start3A_77 = arith.constant 0 : i32
    %dma_start3A_78 = tpu.memref_slice %arg7[%dma_start3A_76, %dma_start3A_77] : memref<16x4096xf32, #tpu.memory_space<vmem>> -> memref<1x4096xf32, #tpu.memory_space<vmem>>
    %dma_start3A_79 = tpu.memref_squeeze %dma_start3A_78 : memref<1x4096xf32, #tpu.memory_space<vmem>> -> memref<4096xf32, #tpu.memory_space<vmem>>
    %dma_start3A_80 = arith.constant 0 : i32
    %dma_start3A_81 = tpu.memref_slice %arg4[%select_n3A, %add3A_75, %dma_start3A_80] : memref<8x64x4096xf32, #tpu.memory_space<hbm>> -> memref<1x1x4096xf32, #tpu.memory_space<hbm>>
    %dma_start3A_82 = tpu.memref_squeeze %dma_start3A_81 : memref<1x1x4096xf32, #tpu.memory_space<hbm>> -> memref<4096xf32, #tpu.memory_space<hbm>>
    %dma_start3A_83 = arith.constant 0 : i32
    %dma_start3A_84 = tpu.memref_slice %arg4[%select_n3A, %add3A_75, %dma_start3A_83] : memref<8x64x4096xf32, #tpu.memory_space<hbm>> -> memref<1x1x4096xf32, #tpu.memory_space<hbm>>
    %dma_start3A_85 = tpu.memref_squeeze %dma_start3A_84 : memref<1x1x4096xf32, #tpu.memory_space<hbm>> -> memref<4096xf32, #tpu.memory_space<hbm>>
    %dma_start3A_86 = arith.constant 0 : i32
    %dma_start3A_87 = tpu.memref_slice %arg7[%dma_start3A_76, %dma_start3A_86] : memref<16x4096xf32, #tpu.memory_space<vmem>> -> memref<1x4096xf32, #tpu.memory_space<vmem>>
    %dma_start3A_88 = tpu.memref_squeeze %dma_start3A_87 : memref<1x4096xf32, #tpu.memory_space<vmem>> -> memref<4096xf32, #tpu.memory_space<vmem>>
    tpu.enqueue_dma source(%dma_start3A_88 : memref<4096xf32, #tpu.memory_space<vmem>>) target(%dma_start3A_85 : memref<4096xf32, #tpu.memory_space<hbm>>) target_semaphore(%arg8 : memref<!tpu.dma_semaphore, #tpu.memory_space<semaphore_mem>>)
    %mul3A_89 = arith.constant 16 : i32
    %mul3A_90 = arith.muli %select_n3A_30, %mul3A_89 : i32
    %add3A_91 = arith.constant 2 : i32
    %add3A_92 = arith.addi %mul3A_90, %add3A_91 : i32
    %dma_start3A_93 = arith.constant 2 : i32
    %dma_start3A_94 = arith.constant 0 : i32
    %dma_start3A_95 = tpu.memref_slice %arg7[%dma_start3A_93, %dma_start3A_94] : memref<16x4096xf32, #tpu.memory_space<vmem>> -> memref<1x4096xf32, #tpu.memory_space<vmem>>
    %dma_start3A_96 = tpu.memref_squeeze %dma_start3A_95 : memref<1x4096xf32, #tpu.memory_space<vmem>> -> memref<4096xf32, #tpu.memory_space<vmem>>
    %dma_start3A_97 = arith.constant 0 : i32
    %dma_start3A_98 = tpu.memref_slice %arg4[%select_n3A, %add3A_92, %dma_start3A_97] : memref<8x64x4096xf32, #tpu.memory_space<hbm>> -> memref<1x1x4096xf32, #tpu.memory_space<hbm>>
    %dma_start3A_99 = tpu.memref_squeeze %dma_start3A_98 : memref<1x1x4096xf32, #tpu.memory_space<hbm>> -> memref<4096xf32, #tpu.memory_space<hbm>>
    %dma_start3A_100 = arith.constant 0 : i32
    %dma_start3A_101 = tpu.memref_slice %arg4[%select_n3A, %add3A_92, %dma_start3A_100] : memref<8x64x4096xf32, #tpu.memory_space<hbm>> -> memref<1x1x4096xf32, #tpu.memory_space<hbm>>
    %dma_start3A_102 = tpu.memref_squeeze %dma_start3A_101 : memref<1x1x4096xf32, #tpu.memory_space<hbm>> -> memref<4096xf32, #tpu.memory_space<hbm>>
    %dma_start3A_103 = arith.constant 0 : i32
    %dma_start3A_104 = tpu.memref_slice %arg7[%dma_start3A_93, %dma_start3A_103] : memref<16x4096xf32, #tpu.memory_space<vmem>> -> memref<1x4096xf32, #tpu.memory_space<vmem>>
    %dma_start3A_105 = tpu.memref_squeeze %dma_start3A_104 : memref<1x4096xf32, #tpu.memory_space<vmem>> -> memref<4096xf32, #tpu.memory_space<vmem>>
    tpu.enqueue_dma source(%dma_start3A_105 : memref<4096xf32, #tpu.memory_space<vmem>>) target(%dma_start3A_102 : memref<4096xf32, #tpu.memory_space<hbm>>) target_semaphore(%arg8 : memref<!tpu.dma_semaphore, #tpu.memory_space<semaphore_mem>>)
    %mul3A_106 = arith.constant 16 : i32
    %mul3A_107 = arith.muli %select_n3A_30, %mul3A_106 : i32
    %add3A_108 = arith.constant 3 : i32
    %add3A_109 = arith.addi %mul3A_107, %add3A_108 : i32
    %dma_start3A_110 = arith.constant 3 : i32
    %dma_start3A_111 = arith.constant 0 : i32
    %dma_start3A_112 = tpu.memref_slice %arg7[%dma_start3A_110, %dma_start3A_111] : memref<16x4096xf32, #tpu.memory_space<vmem>> -> memref<1x4096xf32, #tpu.memory_space<vmem>>
    %dma_start3A_113 = tpu.memref_squeeze %dma_start3A_112 : memref<1x4096xf32, #tpu.memory_space<vmem>> -> memref<4096xf32, #tpu.memory_space<vmem>>
    %dma_start3A_114 = arith.constant 0 : i32
    %dma_start3A_115 = tpu.memref_slice %arg4[%select_n3A, %add3A_109, %dma_start3A_114] : memref<8x64x4096xf32, #tpu.memory_space<hbm>> -> memref<1x1x4096xf32, #tpu.memory_space<hbm>>
    %dma_start3A_116 = tpu.memref_squeeze %dma_start3A_115 : memref<1x1x4096xf32, #tpu.memory_space<hbm>> -> memref<4096xf32, #tpu.memory_space<hbm>>
    %dma_start3A_117 = arith.constant 0 : i32
    %dma_start3A_118 = tpu.memref_slice %arg4[%select_n3A, %add3A_109, %dma_start3A_117] : memref<8x64x4096xf32, #tpu.memory_space<hbm>> -> memref<1x1x4096xf32, #tpu.memory_space<hbm>>
    %dma_start3A_119 = tpu.memref_squeeze %dma_start3A_118 : memref<1x1x4096xf32, #tpu.memory_space<hbm>> -> memref<4096xf32, #tpu.memory_space<hbm>>
    %dma_start3A_120 = arith.constant 0 : i32
    %dma_start3A_121 = tpu.memref_slice %arg7[%dma_start3A_110, %dma_start3A_120] : memref<16x4096xf32, #tpu.memory_space<vmem>> -> memref<1x4096xf32, #tpu.memory_space<vmem>>
    %dma_start3A_122 = tpu.memref_squeeze %dma_start3A_121 : memref<1x4096xf32, #tpu.memory_space<vmem>> -> memref<4096xf32, #tpu.memory_space<vmem>>
    tpu.enqueue_dma source(%dma_start3A_122 : memref<4096xf32, #tpu.memory_space<vmem>>) target(%dma_start3A_119 : memref<4096xf32, #tpu.memory_space<hbm>>) target_semaphore(%arg8 : memref<!tpu.dma_semaphore, #tpu.memory_space<semaphore_mem>>)
    %mul3A_123 = arith.constant 16 : i32
    %mul3A_124 = arith.muli %select_n3A_30, %mul3A_123 : i32
    %add3A_125 = arith.constant 4 : i32
    %add3A_126 = arith.addi %mul3A_124, %add3A_125 : i32
    %dma_start3A_127 = arith.constant 4 : i32
    %dma_start3A_128 = arith.constant 0 : i32
    %dma_start3A_129 = tpu.memref_slice %arg7[%dma_start3A_127, %dma_start3A_128] : memref<16x4096xf32, #tpu.memory_space<vmem>> -> memref<1x4096xf32, #tpu.memory_space<vmem>>
    %dma_start3A_130 = tpu.memref_squeeze %dma_start3A_129 : memref<1x4096xf32, #tpu.memory_space<vmem>> -> memref<4096xf32, #tpu.memory_space<vmem>>
    %dma_start3A_131 = arith.constant 0 : i32
    %dma_start3A_132 = tpu.memref_slice %arg4[%select_n3A, %add3A_126, %dma_start3A_131] : memref<8x64x4096xf32, #tpu.memory_space<hbm>> -> memref<1x1x4096xf32, #tpu.memory_space<hbm>>
    %dma_start3A_133 = tpu.memref_squeeze %dma_start3A_132 : memref<1x1x4096xf32, #tpu.memory_space<hbm>> -> memref<4096xf32, #tpu.memory_space<hbm>>
    %dma_start3A_134 = arith.constant 0 : i32
    %dma_start3A_135 = tpu.memref_slice %arg4[%select_n3A, %add3A_126, %dma_start3A_134] : memref<8x64x4096xf32, #tpu.memory_space<hbm>> -> memref<1x1x4096xf32, #tpu.memory_space<hbm>>
    %dma_start3A_136 = tpu.memref_squeeze %dma_start3A_135 : memref<1x1x4096xf32, #tpu.memory_space<hbm>> -> memref<4096xf32, #tpu.memory_space<hbm>>
    %dma_start3A_137 = arith.constant 0 : i32
    %dma_start3A_138 = tpu.memref_slice %arg7[%dma_start3A_127, %dma_start3A_137] : memref<16x4096xf32, #tpu.memory_space<vmem>> -> memref<1x4096xf32, #tpu.memory_space<vmem>>
    %dma_start3A_139 = tpu.memref_squeeze %dma_start3A_138 : memref<1x4096xf32, #tpu.memory_space<vmem>> -> memref<4096xf32, #tpu.memory_space<vmem>>
    tpu.enqueue_dma source(%dma_start3A_139 : memref<4096xf32, #tpu.memory_space<vmem>>) target(%dma_start3A_136 : memref<4096xf32, #tpu.memory_space<hbm>>) target_semaphore(%arg8 : memref<!tpu.dma_semaphore, #tpu.memory_space<semaphore_mem>>)
    %mul3A_140 = arith.constant 16 : i32
    %mul3A_141 = arith.muli %select_n3A_30, %mul3A_140 : i32
    %add3A_142 = arith.constant 5 : i32
    %add3A_143 = arith.addi %mul3A_141, %add3A_142 : i32
    %dma_start3A_144 = arith.constant 5 : i32
    %dma_start3A_145 = arith.constant 0 : i32
    %dma_start3A_146 = tpu.memref_slice %arg7[%dma_start3A_144, %dma_start3A_145] : memref<16x4096xf32, #tpu.memory_space<vmem>> -> memref<1x4096xf32, #tpu.memory_space<vmem>>
    %dma_start3A_147 = tpu.memref_squeeze %dma_start3A_146 : memref<1x4096xf32, #tpu.memory_space<vmem>> -> memref<4096xf32, #tpu.memory_space<vmem>>
    %dma_start3A_148 = arith.constant 0 : i32
    %dma_start3A_149 = tpu.memref_slice %arg4[%select_n3A, %add3A_143, %dma_start3A_148] : memref<8x64x4096xf32, #tpu.memory_space<hbm>> -> memref<1x1x4096xf32, #tpu.memory_space<hbm>>
    %dma_start3A_150 = tpu.memref_squeeze %dma_start3A_149 : memref<1x1x4096xf32, #tpu.memory_space<hbm>> -> memref<4096xf32, #tpu.memory_space<hbm>>
    %dma_start3A_151 = arith.constant 0 : i32
    %dma_start3A_152 = tpu.memref_slice %arg4[%select_n3A, %add3A_143, %dma_start3A_151] : memref<8x64x4096xf32, #tpu.memory_space<hbm>> -> memref<1x1x4096xf32, #tpu.memory_space<hbm>>
    %dma_start3A_153 = tpu.memref_squeeze %dma_start3A_152 : memref<1x1x4096xf32, #tpu.memory_space<hbm>> -> memref<4096xf32, #tpu.memory_space<hbm>>
    %dma_start3A_154 = arith.constant 0 : i32
    %dma_start3A_155 = tpu.memref_slice %arg7[%dma_start3A_144, %dma_start3A_154] : memref<16x4096xf32, #tpu.memory_space<vmem>> -> memref<1x4096xf32, #tpu.memory_space<vmem>>
    %dma_start3A_156 = tpu.memref_squeeze %dma_start3A_155 : memref<1x4096xf32, #tpu.memory_space<vmem>> -> memref<4096xf32, #tpu.memory_space<vmem>>
    tpu.enqueue_dma source(%dma_start3A_156 : memref<4096xf32, #tpu.memory_space<vmem>>) target(%dma_start3A_153 : memref<4096xf32, #tpu.memory_space<hbm>>) target_semaphore(%arg8 : memref<!tpu.dma_semaphore, #tpu.memory_space<semaphore_mem>>)
    %mul3A_157 = arith.constant 16 : i32
    %mul3A_158 = arith.muli %select_n3A_30, %mul3A_157 : i32
    %add3A_159 = arith.constant 6 : i32
    %add3A_160 = arith.addi %mul3A_158, %add3A_159 : i32
    %dma_start3A_161 = arith.constant 6 : i32
    %dma_start3A_162 = arith.constant 0 : i32
    %dma_start3A_163 = tpu.memref_slice %arg7[%dma_start3A_161, %dma_start3A_162] : memref<16x4096xf32, #tpu.memory_space<vmem>> -> memref<1x4096xf32, #tpu.memory_space<vmem>>
    %dma_start3A_164 = tpu.memref_squeeze %dma_start3A_163 : memref<1x4096xf32, #tpu.memory_space<vmem>> -> memref<4096xf32, #tpu.memory_space<vmem>>
    %dma_start3A_165 = arith.constant 0 : i32
    %dma_start3A_166 = tpu.memref_slice %arg4[%select_n3A, %add3A_160, %dma_start3A_165] : memref<8x64x4096xf32, #tpu.memory_space<hbm>> -> memref<1x1x4096xf32, #tpu.memory_space<hbm>>
    %dma_start3A_167 = tpu.memref_squeeze %dma_start3A_166 : memref<1x1x4096xf32, #tpu.memory_space<hbm>> -> memref<4096xf32, #tpu.memory_space<hbm>>
    %dma_start3A_168 = arith.constant 0 : i32
    %dma_start3A_169 = tpu.memref_slice %arg4[%select_n3A, %add3A_160, %dma_start3A_168] : memref<8x64x4096xf32, #tpu.memory_space<hbm>> -> memref<1x1x4096xf32, #tpu.memory_space<hbm>>
    %dma_start3A_170 = tpu.memref_squeeze %dma_start3A_169 : memref<1x1x4096xf32, #tpu.memory_space<hbm>> -> memref<4096xf32, #tpu.memory_space<hbm>>
    %dma_start3A_171 = arith.constant 0 : i32
    %dma_start3A_172 = tpu.memref_slice %arg7[%dma_start3A_161, %dma_start3A_171] : memref<16x4096xf32, #tpu.memory_space<vmem>> -> memref<1x4096xf32, #tpu.memory_space<vmem>>
    %dma_start3A_173 = tpu.memref_squeeze %dma_start3A_172 : memref<1x4096xf32, #tpu.memory_space<vmem>> -> memref<4096xf32, #tpu.memory_space<vmem>>
    tpu.enqueue_dma source(%dma_start3A_173 : memref<4096xf32, #tpu.memory_space<vmem>>) target(%dma_start3A_170 : memref<4096xf32, #tpu.memory_space<hbm>>) target_semaphore(%arg8 : memref<!tpu.dma_semaphore, #tpu.memory_space<semaphore_mem>>)
    %mul3A_174 = arith.constant 16 : i32
    %mul3A_175 = arith.muli %select_n3A_30, %mul3A_174 : i32
    %add3A_176 = arith.constant 7 : i32
    %add3A_177 = arith.addi %mul3A_175, %add3A_176 : i32
    %dma_start3A_178 = arith.constant 7 : i32
    %dma_start3A_179 = arith.constant 0 : i32
    %dma_start3A_180 = tpu.memref_slice %arg7[%dma_start3A_178, %dma_start3A_179] : memref<16x4096xf32, #tpu.memory_space<vmem>> -> memref<1x4096xf32, #tpu.memory_space<vmem>>
    %dma_start3A_181 = tpu.memref_squeeze %dma_start3A_180 : memref<1x4096xf32, #tpu.memory_space<vmem>> -> memref<4096xf32, #tpu.memory_space<vmem>>
    %dma_start3A_182 = arith.constant 0 : i32
    %dma_start3A_183 = tpu.memref_slice %arg4[%select_n3A, %add3A_177, %dma_start3A_182] : memref<8x64x4096xf32, #tpu.memory_space<hbm>> -> memref<1x1x4096xf32, #tpu.memory_space<hbm>>
    %dma_start3A_184 = tpu.memref_squeeze %dma_start3A_183 : memref<1x1x4096xf32, #tpu.memory_space<hbm>> -> memref<4096xf32, #tpu.memory_space<hbm>>
    %dma_start3A_185 = arith.constant 0 : i32
    %dma_start3A_186 = tpu.memref_slice %arg4[%select_n3A, %add3A_177, %dma_start3A_185] : memref<8x64x4096xf32, #tpu.memory_space<hbm>> -> memref<1x1x4096xf32, #tpu.memory_space<hbm>>
    %dma_start3A_187 = tpu.memref_squeeze %dma_start3A_186 : memref<1x1x4096xf32, #tpu.memory_space<hbm>> -> memref<4096xf32, #tpu.memory_space<hbm>>
    %dma_start3A_188 = arith.constant 0 : i32
    %dma_start3A_189 = tpu.memref_slice %arg7[%dma_start3A_178, %dma_start3A_188] : memref<16x4096xf32, #tpu.memory_space<vmem>> -> memref<1x4096xf32, #tpu.memory_space<vmem>>
    %dma_start3A_190 = tpu.memref_squeeze %dma_start3A_189 : memref<1x4096xf32, #tpu.memory_space<vmem>> -> memref<4096xf32, #tpu.memory_space<vmem>>
    tpu.enqueue_dma source(%dma_start3A_190 : memref<4096xf32, #tpu.memory_space<vmem>>) target(%dma_start3A_187 : memref<4096xf32, #tpu.memory_space<hbm>>) target_semaphore(%arg8 : memref<!tpu.dma_semaphore, #tpu.memory_space<semaphore_mem>>)
    %mul3A_191 = arith.constant 16 : i32
    %mul3A_192 = arith.muli %select_n3A_30, %mul3A_191 : i32
    %add3A_193 = arith.constant 8 : i32
    %add3A_194 = arith.addi %mul3A_192, %add3A_193 : i32
    %dma_start3A_195 = arith.constant 8 : i32
    %dma_start3A_196 = arith.constant 0 : i32
    %dma_start3A_197 = tpu.memref_slice %arg7[%dma_start3A_195, %dma_start3A_196] : memref<16x4096xf32, #tpu.memory_space<vmem>> -> memref<1x4096xf32, #tpu.memory_space<vmem>>
    %dma_start3A_198 = tpu.memref_squeeze %dma_start3A_197 : memref<1x4096xf32, #tpu.memory_space<vmem>> -> memref<4096xf32, #tpu.memory_space<vmem>>
    %dma_start3A_199 = arith.constant 0 : i32
    %dma_start3A_200 = tpu.memref_slice %arg4[%select_n3A, %add3A_194, %dma_start3A_199] : memref<8x64x4096xf32, #tpu.memory_space<hbm>> -> memref<1x1x4096xf32, #tpu.memory_space<hbm>>
    %dma_start3A_201 = tpu.memref_squeeze %dma_start3A_200 : memref<1x1x4096xf32, #tpu.memory_space<hbm>> -> memref<4096xf32, #tpu.memory_space<hbm>>
    %dma_start3A_202 = arith.constant 0 : i32
    %dma_start3A_203 = tpu.memref_slice %arg4[%select_n3A, %add3A_194, %dma_start3A_202] : memref<8x64x4096xf32, #tpu.memory_space<hbm>> -> memref<1x1x4096xf32, #tpu.memory_space<hbm>>
    %dma_start3A_204 = tpu.memref_squeeze %dma_start3A_203 : memref<1x1x4096xf32, #tpu.memory_space<hbm>> -> memref<4096xf32, #tpu.memory_space<hbm>>
    %dma_start3A_205 = arith.constant 0 : i32
    %dma_start3A_206 = tpu.memref_slice %arg7[%dma_start3A_195, %dma_start3A_205] : memref<16x4096xf32, #tpu.memory_space<vmem>> -> memref<1x4096xf32, #tpu.memory_space<vmem>>
    %dma_start3A_207 = tpu.memref_squeeze %dma_start3A_206 : memref<1x4096xf32, #tpu.memory_space<vmem>> -> memref<4096xf32, #tpu.memory_space<vmem>>
    tpu.enqueue_dma source(%dma_start3A_207 : memref<4096xf32, #tpu.memory_space<vmem>>) target(%dma_start3A_204 : memref<4096xf32, #tpu.memory_space<hbm>>) target_semaphore(%arg8 : memref<!tpu.dma_semaphore, #tpu.memory_space<semaphore_mem>>)
    %mul3A_208 = arith.constant 16 : i32
    %mul3A_209 = arith.muli %select_n3A_30, %mul3A_208 : i32
    %add3A_210 = arith.constant 9 : i32
    %add3A_211 = arith.addi %mul3A_209, %add3A_210 : i32
    %dma_start3A_212 = arith.constant 9 : i32
    %dma_start3A_213 = arith.constant 0 : i32
    %dma_start3A_214 = tpu.memref_slice %arg7[%dma_start3A_212, %dma_start3A_213] : memref<16x4096xf32, #tpu.memory_space<vmem>> -> memref<1x4096xf32, #tpu.memory_space<vmem>>
    %dma_start3A_215 = tpu.memref_squeeze %dma_start3A_214 : memref<1x4096xf32, #tpu.memory_space<vmem>> -> memref<4096xf32, #tpu.memory_space<vmem>>
    %dma_start3A_216 = arith.constant 0 : i32
    %dma_start3A_217 = tpu.memref_slice %arg4[%select_n3A, %add3A_211, %dma_start3A_216] : memref<8x64x4096xf32, #tpu.memory_space<hbm>> -> memref<1x1x4096xf32, #tpu.memory_space<hbm>>
    %dma_start3A_218 = tpu.memref_squeeze %dma_start3A_217 : memref<1x1x4096xf32, #tpu.memory_space<hbm>> -> memref<4096xf32, #tpu.memory_space<hbm>>
    %dma_start3A_219 = arith.constant 0 : i32
    %dma_start3A_220 = tpu.memref_slice %arg4[%select_n3A, %add3A_211, %dma_start3A_219] : memref<8x64x4096xf32, #tpu.memory_space<hbm>> -> memref<1x1x4096xf32, #tpu.memory_space<hbm>>
    %dma_start3A_221 = tpu.memref_squeeze %dma_start3A_220 : memref<1x1x4096xf32, #tpu.memory_space<hbm>> -> memref<4096xf32, #tpu.memory_space<hbm>>
    %dma_start3A_222 = arith.constant 0 : i32
    %dma_start3A_223 = tpu.memref_slice %arg7[%dma_start3A_212, %dma_start3A_222] : memref<16x4096xf32, #tpu.memory_space<vmem>> -> memref<1x4096xf32, #tpu.memory_space<vmem>>
    %dma_start3A_224 = tpu.memref_squeeze %dma_start3A_223 : memref<1x4096xf32, #tpu.memory_space<vmem>> -> memref<4096xf32, #tpu.memory_space<vmem>>
    tpu.enqueue_dma source(%dma_start3A_224 : memref<4096xf32, #tpu.memory_space<vmem>>) target(%dma_start3A_221 : memref<4096xf32, #tpu.memory_space<hbm>>) target_semaphore(%arg8 : memref<!tpu.dma_semaphore, #tpu.memory_space<semaphore_mem>>)
    %mul3A_225 = arith.constant 16 : i32
    %mul3A_226 = arith.muli %select_n3A_30, %mul3A_225 : i32
    %add3A_227 = arith.constant 10 : i32
    %add3A_228 = arith.addi %mul3A_226, %add3A_227 : i32
    %dma_start3A_229 = arith.constant 10 : i32
    %dma_start3A_230 = arith.constant 0 : i32
    %dma_start3A_231 = tpu.memref_slice %arg7[%dma_start3A_229, %dma_start3A_230] : memref<16x4096xf32, #tpu.memory_space<vmem>> -> memref<1x4096xf32, #tpu.memory_space<vmem>>
    %dma_start3A_232 = tpu.memref_squeeze %dma_start3A_231 : memref<1x4096xf32, #tpu.memory_space<vmem>> -> memref<4096xf32, #tpu.memory_space<vmem>>
    %dma_start3A_233 = arith.constant 0 : i32
    %dma_start3A_234 = tpu.memref_slice %arg4[%select_n3A, %add3A_228, %dma_start3A_233] : memref<8x64x4096xf32, #tpu.memory_space<hbm>> -> memref<1x1x4096xf32, #tpu.memory_space<hbm>>
    %dma_start3A_235 = tpu.memref_squeeze %dma_start3A_234 : memref<1x1x4096xf32, #tpu.memory_space<hbm>> -> memref<4096xf32, #tpu.memory_space<hbm>>
    %dma_start3A_236 = arith.constant 0 : i32
    %dma_start3A_237 = tpu.memref_slice %arg4[%select_n3A, %add3A_228, %dma_start3A_236] : memref<8x64x4096xf32, #tpu.memory_space<hbm>> -> memref<1x1x4096xf32, #tpu.memory_space<hbm>>
    %dma_start3A_238 = tpu.memref_squeeze %dma_start3A_237 : memref<1x1x4096xf32, #tpu.memory_space<hbm>> -> memref<4096xf32, #tpu.memory_space<hbm>>
    %dma_start3A_239 = arith.constant 0 : i32
    %dma_start3A_240 = tpu.memref_slice %arg7[%dma_start3A_229, %dma_start3A_239] : memref<16x4096xf32, #tpu.memory_space<vmem>> -> memref<1x4096xf32, #tpu.memory_space<vmem>>
    %dma_start3A_241 = tpu.memref_squeeze %dma_start3A_240 : memref<1x4096xf32, #tpu.memory_space<vmem>> -> memref<4096xf32, #tpu.memory_space<vmem>>
    tpu.enqueue_dma source(%dma_start3A_241 : memref<4096xf32, #tpu.memory_space<vmem>>) target(%dma_start3A_238 : memref<4096xf32, #tpu.memory_space<hbm>>) target_semaphore(%arg8 : memref<!tpu.dma_semaphore, #tpu.memory_space<semaphore_mem>>)
    %mul3A_242 = arith.constant 16 : i32
    %mul3A_243 = arith.muli %select_n3A_30, %mul3A_242 : i32
    %add3A_244 = arith.constant 11 : i32
    %add3A_245 = arith.addi %mul3A_243, %add3A_244 : i32
    %dma_start3A_246 = arith.constant 11 : i32
    %dma_start3A_247 = arith.constant 0 : i32
    %dma_start3A_248 = tpu.memref_slice %arg7[%dma_start3A_246, %dma_start3A_247] : memref<16x4096xf32, #tpu.memory_space<vmem>> -> memref<1x4096xf32, #tpu.memory_space<vmem>>
    %dma_start3A_249 = tpu.memref_squeeze %dma_start3A_248 : memref<1x4096xf32, #tpu.memory_space<vmem>> -> memref<4096xf32, #tpu.memory_space<vmem>>
    %dma_start3A_250 = arith.constant 0 : i32
    %dma_start3A_251 = tpu.memref_slice %arg4[%select_n3A, %add3A_245, %dma_start3A_250] : memref<8x64x4096xf32, #tpu.memory_space<hbm>> -> memref<1x1x4096xf32, #tpu.memory_space<hbm>>
    %dma_start3A_252 = tpu.memref_squeeze %dma_start3A_251 : memref<1x1x4096xf32, #tpu.memory_space<hbm>> -> memref<4096xf32, #tpu.memory_space<hbm>>
    %dma_start3A_253 = arith.constant 0 : i32
    %dma_start3A_254 = tpu.memref_slice %arg4[%select_n3A, %add3A_245, %dma_start3A_253] : memref<8x64x4096xf32, #tpu.memory_space<hbm>> -> memref<1x1x4096xf32, #tpu.memory_space<hbm>>
    %dma_start3A_255 = tpu.memref_squeeze %dma_start3A_254 : memref<1x1x4096xf32, #tpu.memory_space<hbm>> -> memref<4096xf32, #tpu.memory_space<hbm>>
    %dma_start3A_256 = arith.constant 0 : i32
    %dma_start3A_257 = tpu.memref_slice %arg7[%dma_start3A_246, %dma_start3A_256] : memref<16x4096xf32, #tpu.memory_space<vmem>> -> memref<1x4096xf32, #tpu.memory_space<vmem>>
    %dma_start3A_258 = tpu.memref_squeeze %dma_start3A_257 : memref<1x4096xf32, #tpu.memory_space<vmem>> -> memref<4096xf32, #tpu.memory_space<vmem>>
    tpu.enqueue_dma source(%dma_start3A_258 : memref<4096xf32, #tpu.memory_space<vmem>>) target(%dma_start3A_255 : memref<4096xf32, #tpu.memory_space<hbm>>) target_semaphore(%arg8 : memref<!tpu.dma_semaphore, #tpu.memory_space<semaphore_mem>>)
    %mul3A_259 = arith.constant 16 : i32
    %mul3A_260 = arith.muli %select_n3A_30, %mul3A_259 : i32
    %add3A_261 = arith.constant 12 : i32
    %add3A_262 = arith.addi %mul3A_260, %add3A_261 : i32
    %dma_start3A_263 = arith.constant 12 : i32
    %dma_start3A_264 = arith.constant 0 : i32
    %dma_start3A_265 = tpu.memref_slice %arg7[%dma_start3A_263, %dma_start3A_264] : memref<16x4096xf32, #tpu.memory_space<vmem>> -> memref<1x4096xf32, #tpu.memory_space<vmem>>
    %dma_start3A_266 = tpu.memref_squeeze %dma_start3A_265 : memref<1x4096xf32, #tpu.memory_space<vmem>> -> memref<4096xf32, #tpu.memory_space<vmem>>
    %dma_start3A_267 = arith.constant 0 : i32
    %dma_start3A_268 = tpu.memref_slice %arg4[%select_n3A, %add3A_262, %dma_start3A_267] : memref<8x64x4096xf32, #tpu.memory_space<hbm>> -> memref<1x1x4096xf32, #tpu.memory_space<hbm>>
    %dma_start3A_269 = tpu.memref_squeeze %dma_start3A_268 : memref<1x1x4096xf32, #tpu.memory_space<hbm>> -> memref<4096xf32, #tpu.memory_space<hbm>>
    %dma_start3A_270 = arith.constant 0 : i32
    %dma_start3A_271 = tpu.memref_slice %arg4[%select_n3A, %add3A_262, %dma_start3A_270] : memref<8x64x4096xf32, #tpu.memory_space<hbm>> -> memref<1x1x4096xf32, #tpu.memory_space<hbm>>
    %dma_start3A_272 = tpu.memref_squeeze %dma_start3A_271 : memref<1x1x4096xf32, #tpu.memory_space<hbm>> -> memref<4096xf32, #tpu.memory_space<hbm>>
    %dma_start3A_273 = arith.constant 0 : i32
    %dma_start3A_274 = tpu.memref_slice %arg7[%dma_start3A_263, %dma_start3A_273] : memref<16x4096xf32, #tpu.memory_space<vmem>> -> memref<1x4096xf32, #tpu.memory_space<vmem>>
    %dma_start3A_275 = tpu.memref_squeeze %dma_start3A_274 : memref<1x4096xf32, #tpu.memory_space<vmem>> -> memref<4096xf32, #tpu.memory_space<vmem>>
    tpu.enqueue_dma source(%dma_start3A_275 : memref<4096xf32, #tpu.memory_space<vmem>>) target(%dma_start3A_272 : memref<4096xf32, #tpu.memory_space<hbm>>) target_semaphore(%arg8 : memref<!tpu.dma_semaphore, #tpu.memory_space<semaphore_mem>>)
    %mul3A_276 = arith.constant 16 : i32
    %mul3A_277 = arith.muli %select_n3A_30, %mul3A_276 : i32
    %add3A_278 = arith.constant 13 : i32
    %add3A_279 = arith.addi %mul3A_277, %add3A_278 : i32
    %dma_start3A_280 = arith.constant 13 : i32
    %dma_start3A_281 = arith.constant 0 : i32
    %dma_start3A_282 = tpu.memref_slice %arg7[%dma_start3A_280, %dma_start3A_281] : memref<16x4096xf32, #tpu.memory_space<vmem>> -> memref<1x4096xf32, #tpu.memory_space<vmem>>
    %dma_start3A_283 = tpu.memref_squeeze %dma_start3A_282 : memref<1x4096xf32, #tpu.memory_space<vmem>> -> memref<4096xf32, #tpu.memory_space<vmem>>
    %dma_start3A_284 = arith.constant 0 : i32
    %dma_start3A_285 = tpu.memref_slice %arg4[%select_n3A, %add3A_279, %dma_start3A_284] : memref<8x64x4096xf32, #tpu.memory_space<hbm>> -> memref<1x1x4096xf32, #tpu.memory_space<hbm>>
    %dma_start3A_286 = tpu.memref_squeeze %dma_start3A_285 : memref<1x1x4096xf32, #tpu.memory_space<hbm>> -> memref<4096xf32, #tpu.memory_space<hbm>>
    %dma_start3A_287 = arith.constant 0 : i32
    %dma_start3A_288 = tpu.memref_slice %arg4[%select_n3A, %add3A_279, %dma_start3A_287] : memref<8x64x4096xf32, #tpu.memory_space<hbm>> -> memref<1x1x4096xf32, #tpu.memory_space<hbm>>
    %dma_start3A_289 = tpu.memref_squeeze %dma_start3A_288 : memref<1x1x4096xf32, #tpu.memory_space<hbm>> -> memref<4096xf32, #tpu.memory_space<hbm>>
    %dma_start3A_290 = arith.constant 0 : i32
    %dma_start3A_291 = tpu.memref_slice %arg7[%dma_start3A_280, %dma_start3A_290] : memref<16x4096xf32, #tpu.memory_space<vmem>> -> memref<1x4096xf32, #tpu.memory_space<vmem>>
    %dma_start3A_292 = tpu.memref_squeeze %dma_start3A_291 : memref<1x4096xf32, #tpu.memory_space<vmem>> -> memref<4096xf32, #tpu.memory_space<vmem>>
    tpu.enqueue_dma source(%dma_start3A_292 : memref<4096xf32, #tpu.memory_space<vmem>>) target(%dma_start3A_289 : memref<4096xf32, #tpu.memory_space<hbm>>) target_semaphore(%arg8 : memref<!tpu.dma_semaphore, #tpu.memory_space<semaphore_mem>>)
    %mul3A_293 = arith.constant 16 : i32
    %mul3A_294 = arith.muli %select_n3A_30, %mul3A_293 : i32
    %add3A_295 = arith.constant 14 : i32
    %add3A_296 = arith.addi %mul3A_294, %add3A_295 : i32
    %dma_start3A_297 = arith.constant 14 : i32
    %dma_start3A_298 = arith.constant 0 : i32
    %dma_start3A_299 = tpu.memref_slice %arg7[%dma_start3A_297, %dma_start3A_298] : memref<16x4096xf32, #tpu.memory_space<vmem>> -> memref<1x4096xf32, #tpu.memory_space<vmem>>
    %dma_start3A_300 = tpu.memref_squeeze %dma_start3A_299 : memref<1x4096xf32, #tpu.memory_space<vmem>> -> memref<4096xf32, #tpu.memory_space<vmem>>
    %dma_start3A_301 = arith.constant 0 : i32
    %dma_start3A_302 = tpu.memref_slice %arg4[%select_n3A, %add3A_296, %dma_start3A_301] : memref<8x64x4096xf32, #tpu.memory_space<hbm>> -> memref<1x1x4096xf32, #tpu.memory_space<hbm>>
    %dma_start3A_303 = tpu.memref_squeeze %dma_start3A_302 : memref<1x1x4096xf32, #tpu.memory_space<hbm>> -> memref<4096xf32, #tpu.memory_space<hbm>>
    %dma_start3A_304 = arith.constant 0 : i32
    %dma_start3A_305 = tpu.memref_slice %arg4[%select_n3A, %add3A_296, %dma_start3A_304] : memref<8x64x4096xf32, #tpu.memory_space<hbm>> -> memref<1x1x4096xf32, #tpu.memory_space<hbm>>
    %dma_start3A_306 = tpu.memref_squeeze %dma_start3A_305 : memref<1x1x4096xf32, #tpu.memory_space<hbm>> -> memref<4096xf32, #tpu.memory_space<hbm>>
    %dma_start3A_307 = arith.constant 0 : i32
    %dma_start3A_308 = tpu.memref_slice %arg7[%dma_start3A_297, %dma_start3A_307] : memref<16x4096xf32, #tpu.memory_space<vmem>> -> memref<1x4096xf32, #tpu.memory_space<vmem>>
    %dma_start3A_309 = tpu.memref_squeeze %dma_start3A_308 : memref<1x4096xf32, #tpu.memory_space<vmem>> -> memref<4096xf32, #tpu.memory_space<vmem>>
    tpu.enqueue_dma source(%dma_start3A_309 : memref<4096xf32, #tpu.memory_space<vmem>>) target(%dma_start3A_306 : memref<4096xf32, #tpu.memory_space<hbm>>) target_semaphore(%arg8 : memref<!tpu.dma_semaphore, #tpu.memory_space<semaphore_mem>>)
    %mul3A_310 = arith.constant 16 : i32
    %mul3A_311 = arith.muli %select_n3A_30, %mul3A_310 : i32
    %add3A_312 = arith.constant 15 : i32
    %add3A_313 = arith.addi %mul3A_311, %add3A_312 : i32
    %dma_start3A_314 = arith.constant 15 : i32
    %dma_start3A_315 = arith.constant 0 : i32
    %dma_start3A_316 = tpu.memref_slice %arg7[%dma_start3A_314, %dma_start3A_315] : memref<16x4096xf32, #tpu.memory_space<vmem>> -> memref<1x4096xf32, #tpu.memory_space<vmem>>
    %dma_start3A_317 = tpu.memref_squeeze %dma_start3A_316 : memref<1x4096xf32, #tpu.memory_space<vmem>> -> memref<4096xf32, #tpu.memory_space<vmem>>
    %dma_start3A_318 = arith.constant 0 : i32
    %dma_start3A_319 = tpu.memref_slice %arg4[%select_n3A, %add3A_313, %dma_start3A_318] : memref<8x64x4096xf32, #tpu.memory_space<hbm>> -> memref<1x1x4096xf32, #tpu.memory_space<hbm>>
    %dma_start3A_320 = tpu.memref_squeeze %dma_start3A_319 : memref<1x1x4096xf32, #tpu.memory_space<hbm>> -> memref<4096xf32, #tpu.memory_space<hbm>>
    %dma_start3A_321 = arith.constant 0 : i32
    %dma_start3A_322 = tpu.memref_slice %arg4[%select_n3A, %add3A_313, %dma_start3A_321] : memref<8x64x4096xf32, #tpu.memory_space<hbm>> -> memref<1x1x4096xf32, #tpu.memory_space<hbm>>
    %dma_start3A_323 = tpu.memref_squeeze %dma_start3A_322 : memref<1x1x4096xf32, #tpu.memory_space<hbm>> -> memref<4096xf32, #tpu.memory_space<hbm>>
    %dma_start3A_324 = arith.constant 0 : i32
    %dma_start3A_325 = tpu.memref_slice %arg7[%dma_start3A_314, %dma_start3A_324] : memref<16x4096xf32, #tpu.memory_space<vmem>> -> memref<1x4096xf32, #tpu.memory_space<vmem>>
    %dma_start3A_326 = tpu.memref_squeeze %dma_start3A_325 : memref<1x4096xf32, #tpu.memory_space<vmem>> -> memref<4096xf32, #tpu.memory_space<vmem>>
    tpu.enqueue_dma source(%dma_start3A_326 : memref<4096xf32, #tpu.memory_space<vmem>>) target(%dma_start3A_323 : memref<4096xf32, #tpu.memory_space<hbm>>) target_semaphore(%arg8 : memref<!tpu.dma_semaphore, #tpu.memory_space<semaphore_mem>>)
    %dma_wait3A_327 = arith.constant 0 : i32
    %dma_wait3A_328 = arith.constant 0 : i32
    %dma_wait3A_329 = tpu.memref_slice %arg7[%dma_wait3A_327, %dma_wait3A_328] : memref<16x4096xf32, #tpu.memory_space<vmem>> -> memref<1x4096xf32, #tpu.memory_space<vmem>>
    %dma_wait3A_330 = tpu.memref_squeeze %dma_wait3A_329 : memref<1x4096xf32, #tpu.memory_space<vmem>> -> memref<4096xf32, #tpu.memory_space<vmem>>
    %dma_wait3A_331 = arith.constant 0 : i32
    %dma_wait3A_332 = tpu.memref_slice %arg4[%select_n3A, %add3A_58, %dma_wait3A_331] : memref<8x64x4096xf32, #tpu.memory_space<hbm>> -> memref<1x1x4096xf32, #tpu.memory_space<hbm>>
    %dma_wait3A_333 = tpu.memref_squeeze %dma_wait3A_332 : memref<1x1x4096xf32, #tpu.memory_space<hbm>> -> memref<4096xf32, #tpu.memory_space<hbm>>
    %dma_wait3A_334 = arith.constant 0 : i32
    %dma_wait3A_335 = tpu.memref_slice %arg4[%select_n3A, %add3A_58, %dma_wait3A_334] : memref<8x64x4096xf32, #tpu.memory_space<hbm>> -> memref<1x1x4096xf32, #tpu.memory_space<hbm>>
    %dma_wait3A_336 = tpu.memref_squeeze %dma_wait3A_335 : memref<1x1x4096xf32, #tpu.memory_space<hbm>> -> memref<4096xf32, #tpu.memory_space<hbm>>
    %dma_wait3A_337 = arith.constant 0 : i32
    %dma_wait3A_338 = tpu.memref_slice %arg7[%dma_wait3A_327, %dma_wait3A_337] : memref<16x4096xf32, #tpu.memory_space<vmem>> -> memref<1x4096xf32, #tpu.memory_space<vmem>>
    %dma_wait3A_339 = tpu.memref_squeeze %dma_wait3A_338 : memref<1x4096xf32, #tpu.memory_space<vmem>> -> memref<4096xf32, #tpu.memory_space<vmem>>
    tpu.wait_dma2 semaphore(%arg8 : memref<!tpu.dma_semaphore, #tpu.memory_space<semaphore_mem>>) src(%dma_wait3A_339 : memref<4096xf32, #tpu.memory_space<vmem>>) dst(%dma_wait3A_336 : memref<4096xf32, #tpu.memory_space<hbm>>)
    %dma_wait3A_340 = arith.constant 1 : i32
    %dma_wait3A_341 = arith.constant 0 : i32
    %dma_wait3A_342 = tpu.memref_slice %arg7[%dma_wait3A_340, %dma_wait3A_341] : memref<16x4096xf32, #tpu.memory_space<vmem>> -> memref<1x4096xf32, #tpu.memory_space<vmem>>
    %dma_wait3A_343 = tpu.memref_squeeze %dma_wait3A_342 : memref<1x4096xf32, #tpu.memory_space<vmem>> -> memref<4096xf32, #tpu.memory_space<vmem>>
    %dma_wait3A_344 = arith.constant 0 : i32
    %dma_wait3A_345 = tpu.memref_slice %arg4[%select_n3A, %add3A_75, %dma_wait3A_344] : memref<8x64x4096xf32, #tpu.memory_space<hbm>> -> memref<1x1x4096xf32, #tpu.memory_space<hbm>>
    %dma_wait3A_346 = tpu.memref_squeeze %dma_wait3A_345 : memref<1x1x4096xf32, #tpu.memory_space<hbm>> -> memref<4096xf32, #tpu.memory_space<hbm>>
    %dma_wait3A_347 = arith.constant 0 : i32
    %dma_wait3A_348 = tpu.memref_slice %arg4[%select_n3A, %add3A_75, %dma_wait3A_347] : memref<8x64x4096xf32, #tpu.memory_space<hbm>> -> memref<1x1x4096xf32, #tpu.memory_space<hbm>>
    %dma_wait3A_349 = tpu.memref_squeeze %dma_wait3A_348 : memref<1x1x4096xf32, #tpu.memory_space<hbm>> -> memref<4096xf32, #tpu.memory_space<hbm>>
    %dma_wait3A_350 = arith.constant 0 : i32
    %dma_wait3A_351 = tpu.memref_slice %arg7[%dma_wait3A_340, %dma_wait3A_350] : memref<16x4096xf32, #tpu.memory_space<vmem>> -> memref<1x4096xf32, #tpu.memory_space<vmem>>
    %dma_wait3A_352 = tpu.memref_squeeze %dma_wait3A_351 : memref<1x4096xf32, #tpu.memory_space<vmem>> -> memref<4096xf32, #tpu.memory_space<vmem>>
    tpu.wait_dma2 semaphore(%arg8 : memref<!tpu.dma_semaphore, #tpu.memory_space<semaphore_mem>>) src(%dma_wait3A_352 : memref<4096xf32, #tpu.memory_space<vmem>>) dst(%dma_wait3A_349 : memref<4096xf32, #tpu.memory_space<hbm>>)
    %dma_wait3A_353 = arith.constant 2 : i32
    %dma_wait3A_354 = arith.constant 0 : i32
    %dma_wait3A_355 = tpu.memref_slice %arg7[%dma_wait3A_353, %dma_wait3A_354] : memref<16x4096xf32, #tpu.memory_space<vmem>> -> memref<1x4096xf32, #tpu.memory_space<vmem>>
    %dma_wait3A_356 = tpu.memref_squeeze %dma_wait3A_355 : memref<1x4096xf32, #tpu.memory_space<vmem>> -> memref<4096xf32, #tpu.memory_space<vmem>>
    %dma_wait3A_357 = arith.constant 0 : i32
    %dma_wait3A_358 = tpu.memref_slice %arg4[%select_n3A, %add3A_92, %dma_wait3A_357] : memref<8x64x4096xf32, #tpu.memory_space<hbm>> -> memref<1x1x4096xf32, #tpu.memory_space<hbm>>
    %dma_wait3A_359 = tpu.memref_squeeze %dma_wait3A_358 : memref<1x1x4096xf32, #tpu.memory_space<hbm>> -> memref<4096xf32, #tpu.memory_space<hbm>>
    %dma_wait3A_360 = arith.constant 0 : i32
    %dma_wait3A_361 = tpu.memref_slice %arg4[%select_n3A, %add3A_92, %dma_wait3A_360] : memref<8x64x4096xf32, #tpu.memory_space<hbm>> -> memref<1x1x4096xf32, #tpu.memory_space<hbm>>
    %dma_wait3A_362 = tpu.memref_squeeze %dma_wait3A_361 : memref<1x1x4096xf32, #tpu.memory_space<hbm>> -> memref<4096xf32, #tpu.memory_space<hbm>>
    %dma_wait3A_363 = arith.constant 0 : i32
    %dma_wait3A_364 = tpu.memref_slice %arg7[%dma_wait3A_353, %dma_wait3A_363] : memref<16x4096xf32, #tpu.memory_space<vmem>> -> memref<1x4096xf32, #tpu.memory_space<vmem>>
    %dma_wait3A_365 = tpu.memref_squeeze %dma_wait3A_364 : memref<1x4096xf32, #tpu.memory_space<vmem>> -> memref<4096xf32, #tpu.memory_space<vmem>>
    tpu.wait_dma2 semaphore(%arg8 : memref<!tpu.dma_semaphore, #tpu.memory_space<semaphore_mem>>) src(%dma_wait3A_365 : memref<4096xf32, #tpu.memory_space<vmem>>) dst(%dma_wait3A_362 : memref<4096xf32, #tpu.memory_space<hbm>>)
    %dma_wait3A_366 = arith.constant 3 : i32
    %dma_wait3A_367 = arith.constant 0 : i32
    %dma_wait3A_368 = tpu.memref_slice %arg7[%dma_wait3A_366, %dma_wait3A_367] : memref<16x4096xf32, #tpu.memory_space<vmem>> -> memref<1x4096xf32, #tpu.memory_space<vmem>>
    %dma_wait3A_369 = tpu.memref_squeeze %dma_wait3A_368 : memref<1x4096xf32, #tpu.memory_space<vmem>> -> memref<4096xf32, #tpu.memory_space<vmem>>
    %dma_wait3A_370 = arith.constant 0 : i32
    %dma_wait3A_371 = tpu.memref_slice %arg4[%select_n3A, %add3A_109, %dma_wait3A_370] : memref<8x64x4096xf32, #tpu.memory_space<hbm>> -> memref<1x1x4096xf32, #tpu.memory_space<hbm>>
    %dma_wait3A_372 = tpu.memref_squeeze %dma_wait3A_371 : memref<1x1x4096xf32, #tpu.memory_space<hbm>> -> memref<4096xf32, #tpu.memory_space<hbm>>
    %dma_wait3A_373 = arith.constant 0 : i32
    %dma_wait3A_374 = tpu.memref_slice %arg4[%select_n3A, %add3A_109, %dma_wait3A_373] : memref<8x64x4096xf32, #tpu.memory_space<hbm>> -> memref<1x1x4096xf32, #tpu.memory_space<hbm>>
    %dma_wait3A_375 = tpu.memref_squeeze %dma_wait3A_374 : memref<1x1x4096xf32, #tpu.memory_space<hbm>> -> memref<4096xf32, #tpu.memory_space<hbm>>
    %dma_wait3A_376 = arith.constant 0 : i32
    %dma_wait3A_377 = tpu.memref_slice %arg7[%dma_wait3A_366, %dma_wait3A_376] : memref<16x4096xf32, #tpu.memory_space<vmem>> -> memref<1x4096xf32, #tpu.memory_space<vmem>>
    %dma_wait3A_378 = tpu.memref_squeeze %dma_wait3A_377 : memref<1x4096xf32, #tpu.memory_space<vmem>> -> memref<4096xf32, #tpu.memory_space<vmem>>
    tpu.wait_dma2 semaphore(%arg8 : memref<!tpu.dma_semaphore, #tpu.memory_space<semaphore_mem>>) src(%dma_wait3A_378 : memref<4096xf32, #tpu.memory_space<vmem>>) dst(%dma_wait3A_375 : memref<4096xf32, #tpu.memory_space<hbm>>)
    %dma_wait3A_379 = arith.constant 4 : i32
    %dma_wait3A_380 = arith.constant 0 : i32
    %dma_wait3A_381 = tpu.memref_slice %arg7[%dma_wait3A_379, %dma_wait3A_380] : memref<16x4096xf32, #tpu.memory_space<vmem>> -> memref<1x4096xf32, #tpu.memory_space<vmem>>
    %dma_wait3A_382 = tpu.memref_squeeze %dma_wait3A_381 : memref<1x4096xf32, #tpu.memory_space<vmem>> -> memref<4096xf32, #tpu.memory_space<vmem>>
    %dma_wait3A_383 = arith.constant 0 : i32
    %dma_wait3A_384 = tpu.memref_slice %arg4[%select_n3A, %add3A_126, %dma_wait3A_383] : memref<8x64x4096xf32, #tpu.memory_space<hbm>> -> memref<1x1x4096xf32, #tpu.memory_space<hbm>>
    %dma_wait3A_385 = tpu.memref_squeeze %dma_wait3A_384 : memref<1x1x4096xf32, #tpu.memory_space<hbm>> -> memref<4096xf32, #tpu.memory_space<hbm>>
    %dma_wait3A_386 = arith.constant 0 : i32
    %dma_wait3A_387 = tpu.memref_slice %arg4[%select_n3A, %add3A_126, %dma_wait3A_386] : memref<8x64x4096xf32, #tpu.memory_space<hbm>> -> memref<1x1x4096xf32, #tpu.memory_space<hbm>>
    %dma_wait3A_388 = tpu.memref_squeeze %dma_wait3A_387 : memref<1x1x4096xf32, #tpu.memory_space<hbm>> -> memref<4096xf32, #tpu.memory_space<hbm>>
    %dma_wait3A_389 = arith.constant 0 : i32
    %dma_wait3A_390 = tpu.memref_slice %arg7[%dma_wait3A_379, %dma_wait3A_389] : memref<16x4096xf32, #tpu.memory_space<vmem>> -> memref<1x4096xf32, #tpu.memory_space<vmem>>
    %dma_wait3A_391 = tpu.memref_squeeze %dma_wait3A_390 : memref<1x4096xf32, #tpu.memory_space<vmem>> -> memref<4096xf32, #tpu.memory_space<vmem>>
    tpu.wait_dma2 semaphore(%arg8 : memref<!tpu.dma_semaphore, #tpu.memory_space<semaphore_mem>>) src(%dma_wait3A_391 : memref<4096xf32, #tpu.memory_space<vmem>>) dst(%dma_wait3A_388 : memref<4096xf32, #tpu.memory_space<hbm>>)
    %dma_wait3A_392 = arith.constant 5 : i32
    %dma_wait3A_393 = arith.constant 0 : i32
    %dma_wait3A_394 = tpu.memref_slice %arg7[%dma_wait3A_392, %dma_wait3A_393] : memref<16x4096xf32, #tpu.memory_space<vmem>> -> memref<1x4096xf32, #tpu.memory_space<vmem>>
    %dma_wait3A_395 = tpu.memref_squeeze %dma_wait3A_394 : memref<1x4096xf32, #tpu.memory_space<vmem>> -> memref<4096xf32, #tpu.memory_space<vmem>>
    %dma_wait3A_396 = arith.constant 0 : i32
    %dma_wait3A_397 = tpu.memref_slice %arg4[%select_n3A, %add3A_143, %dma_wait3A_396] : memref<8x64x4096xf32, #tpu.memory_space<hbm>> -> memref<1x1x4096xf32, #tpu.memory_space<hbm>>
    %dma_wait3A_398 = tpu.memref_squeeze %dma_wait3A_397 : memref<1x1x4096xf32, #tpu.memory_space<hbm>> -> memref<4096xf32, #tpu.memory_space<hbm>>
    %dma_wait3A_399 = arith.constant 0 : i32
    %dma_wait3A_400 = tpu.memref_slice %arg4[%select_n3A, %add3A_143, %dma_wait3A_399] : memref<8x64x4096xf32, #tpu.memory_space<hbm>> -> memref<1x1x4096xf32, #tpu.memory_space<hbm>>
    %dma_wait3A_401 = tpu.memref_squeeze %dma_wait3A_400 : memref<1x1x4096xf32, #tpu.memory_space<hbm>> -> memref<4096xf32, #tpu.memory_space<hbm>>
    %dma_wait3A_402 = arith.constant 0 : i32
    %dma_wait3A_403 = tpu.memref_slice %arg7[%dma_wait3A_392, %dma_wait3A_402] : memref<16x4096xf32, #tpu.memory_space<vmem>> -> memref<1x4096xf32, #tpu.memory_space<vmem>>
    %dma_wait3A_404 = tpu.memref_squeeze %dma_wait3A_403 : memref<1x4096xf32, #tpu.memory_space<vmem>> -> memref<4096xf32, #tpu.memory_space<vmem>>
    tpu.wait_dma2 semaphore(%arg8 : memref<!tpu.dma_semaphore, #tpu.memory_space<semaphore_mem>>) src(%dma_wait3A_404 : memref<4096xf32, #tpu.memory_space<vmem>>) dst(%dma_wait3A_401 : memref<4096xf32, #tpu.memory_space<hbm>>)
    %dma_wait3A_405 = arith.constant 6 : i32
    %dma_wait3A_406 = arith.constant 0 : i32
    %dma_wait3A_407 = tpu.memref_slice %arg7[%dma_wait3A_405, %dma_wait3A_406] : memref<16x4096xf32, #tpu.memory_space<vmem>> -> memref<1x4096xf32, #tpu.memory_space<vmem>>
    %dma_wait3A_408 = tpu.memref_squeeze %dma_wait3A_407 : memref<1x4096xf32, #tpu.memory_space<vmem>> -> memref<4096xf32, #tpu.memory_space<vmem>>
    %dma_wait3A_409 = arith.constant 0 : i32
    %dma_wait3A_410 = tpu.memref_slice %arg4[%select_n3A, %add3A_160, %dma_wait3A_409] : memref<8x64x4096xf32, #tpu.memory_space<hbm>> -> memref<1x1x4096xf32, #tpu.memory_space<hbm>>
    %dma_wait3A_411 = tpu.memref_squeeze %dma_wait3A_410 : memref<1x1x4096xf32, #tpu.memory_space<hbm>> -> memref<4096xf32, #tpu.memory_space<hbm>>
    %dma_wait3A_412 = arith.constant 0 : i32
    %dma_wait3A_413 = tpu.memref_slice %arg4[%select_n3A, %add3A_160, %dma_wait3A_412] : memref<8x64x4096xf32, #tpu.memory_space<hbm>> -> memref<1x1x4096xf32, #tpu.memory_space<hbm>>
    %dma_wait3A_414 = tpu.memref_squeeze %dma_wait3A_413 : memref<1x1x4096xf32, #tpu.memory_space<hbm>> -> memref<4096xf32, #tpu.memory_space<hbm>>
    %dma_wait3A_415 = arith.constant 0 : i32
    %dma_wait3A_416 = tpu.memref_slice %arg7[%dma_wait3A_405, %dma_wait3A_415] : memref<16x4096xf32, #tpu.memory_space<vmem>> -> memref<1x4096xf32, #tpu.memory_space<vmem>>
    %dma_wait3A_417 = tpu.memref_squeeze %dma_wait3A_416 : memref<1x4096xf32, #tpu.memory_space<vmem>> -> memref<4096xf32, #tpu.memory_space<vmem>>
    tpu.wait_dma2 semaphore(%arg8 : memref<!tpu.dma_semaphore, #tpu.memory_space<semaphore_mem>>) src(%dma_wait3A_417 : memref<4096xf32, #tpu.memory_space<vmem>>) dst(%dma_wait3A_414 : memref<4096xf32, #tpu.memory_space<hbm>>)
    %dma_wait3A_418 = arith.constant 7 : i32
    %dma_wait3A_419 = arith.constant 0 : i32
    %dma_wait3A_420 = tpu.memref_slice %arg7[%dma_wait3A_418, %dma_wait3A_419] : memref<16x4096xf32, #tpu.memory_space<vmem>> -> memref<1x4096xf32, #tpu.memory_space<vmem>>
    %dma_wait3A_421 = tpu.memref_squeeze %dma_wait3A_420 : memref<1x4096xf32, #tpu.memory_space<vmem>> -> memref<4096xf32, #tpu.memory_space<vmem>>
    %dma_wait3A_422 = arith.constant 0 : i32
    %dma_wait3A_423 = tpu.memref_slice %arg4[%select_n3A, %add3A_177, %dma_wait3A_422] : memref<8x64x4096xf32, #tpu.memory_space<hbm>> -> memref<1x1x4096xf32, #tpu.memory_space<hbm>>
    %dma_wait3A_424 = tpu.memref_squeeze %dma_wait3A_423 : memref<1x1x4096xf32, #tpu.memory_space<hbm>> -> memref<4096xf32, #tpu.memory_space<hbm>>
    %dma_wait3A_425 = arith.constant 0 : i32
    %dma_wait3A_426 = tpu.memref_slice %arg4[%select_n3A, %add3A_177, %dma_wait3A_425] : memref<8x64x4096xf32, #tpu.memory_space<hbm>> -> memref<1x1x4096xf32, #tpu.memory_space<hbm>>
    %dma_wait3A_427 = tpu.memref_squeeze %dma_wait3A_426 : memref<1x1x4096xf32, #tpu.memory_space<hbm>> -> memref<4096xf32, #tpu.memory_space<hbm>>
    %dma_wait3A_428 = arith.constant 0 : i32
    %dma_wait3A_429 = tpu.memref_slice %arg7[%dma_wait3A_418, %dma_wait3A_428] : memref<16x4096xf32, #tpu.memory_space<vmem>> -> memref<1x4096xf32, #tpu.memory_space<vmem>>
    %dma_wait3A_430 = tpu.memref_squeeze %dma_wait3A_429 : memref<1x4096xf32, #tpu.memory_space<vmem>> -> memref<4096xf32, #tpu.memory_space<vmem>>
    tpu.wait_dma2 semaphore(%arg8 : memref<!tpu.dma_semaphore, #tpu.memory_space<semaphore_mem>>) src(%dma_wait3A_430 : memref<4096xf32, #tpu.memory_space<vmem>>) dst(%dma_wait3A_427 : memref<4096xf32, #tpu.memory_space<hbm>>)
    %dma_wait3A_431 = arith.constant 8 : i32
    %dma_wait3A_432 = arith.constant 0 : i32
    %dma_wait3A_433 = tpu.memref_slice %arg7[%dma_wait3A_431, %dma_wait3A_432] : memref<16x4096xf32, #tpu.memory_space<vmem>> -> memref<1x4096xf32, #tpu.memory_space<vmem>>
    %dma_wait3A_434 = tpu.memref_squeeze %dma_wait3A_433 : memref<1x4096xf32, #tpu.memory_space<vmem>> -> memref<4096xf32, #tpu.memory_space<vmem>>
    %dma_wait3A_435 = arith.constant 0 : i32
    %dma_wait3A_436 = tpu.memref_slice %arg4[%select_n3A, %add3A_194, %dma_wait3A_435] : memref<8x64x4096xf32, #tpu.memory_space<hbm>> -> memref<1x1x4096xf32, #tpu.memory_space<hbm>>
    %dma_wait3A_437 = tpu.memref_squeeze %dma_wait3A_436 : memref<1x1x4096xf32, #tpu.memory_space<hbm>> -> memref<4096xf32, #tpu.memory_space<hbm>>
    %dma_wait3A_438 = arith.constant 0 : i32
    %dma_wait3A_439 = tpu.memref_slice %arg4[%select_n3A, %add3A_194, %dma_wait3A_438] : memref<8x64x4096xf32, #tpu.memory_space<hbm>> -> memref<1x1x4096xf32, #tpu.memory_space<hbm>>
    %dma_wait3A_440 = tpu.memref_squeeze %dma_wait3A_439 : memref<1x1x4096xf32, #tpu.memory_space<hbm>> -> memref<4096xf32, #tpu.memory_space<hbm>>
    %dma_wait3A_441 = arith.constant 0 : i32
    %dma_wait3A_442 = tpu.memref_slice %arg7[%dma_wait3A_431, %dma_wait3A_441] : memref<16x4096xf32, #tpu.memory_space<vmem>> -> memref<1x4096xf32, #tpu.memory_space<vmem>>
    %dma_wait3A_443 = tpu.memref_squeeze %dma_wait3A_442 : memref<1x4096xf32, #tpu.memory_space<vmem>> -> memref<4096xf32, #tpu.memory_space<vmem>>
    tpu.wait_dma2 semaphore(%arg8 : memref<!tpu.dma_semaphore, #tpu.memory_space<semaphore_mem>>) src(%dma_wait3A_443 : memref<4096xf32, #tpu.memory_space<vmem>>) dst(%dma_wait3A_440 : memref<4096xf32, #tpu.memory_space<hbm>>)
    %dma_wait3A_444 = arith.constant 9 : i32
    %dma_wait3A_445 = arith.constant 0 : i32
    %dma_wait3A_446 = tpu.memref_slice %arg7[%dma_wait3A_444, %dma_wait3A_445] : memref<16x4096xf32, #tpu.memory_space<vmem>> -> memref<1x4096xf32, #tpu.memory_space<vmem>>
    %dma_wait3A_447 = tpu.memref_squeeze %dma_wait3A_446 : memref<1x4096xf32, #tpu.memory_space<vmem>> -> memref<4096xf32, #tpu.memory_space<vmem>>
    %dma_wait3A_448 = arith.constant 0 : i32
    %dma_wait3A_449 = tpu.memref_slice %arg4[%select_n3A, %add3A_211, %dma_wait3A_448] : memref<8x64x4096xf32, #tpu.memory_space<hbm>> -> memref<1x1x4096xf32, #tpu.memory_space<hbm>>
    %dma_wait3A_450 = tpu.memref_squeeze %dma_wait3A_449 : memref<1x1x4096xf32, #tpu.memory_space<hbm>> -> memref<4096xf32, #tpu.memory_space<hbm>>
    %dma_wait3A_451 = arith.constant 0 : i32
    %dma_wait3A_452 = tpu.memref_slice %arg4[%select_n3A, %add3A_211, %dma_wait3A_451] : memref<8x64x4096xf32, #tpu.memory_space<hbm>> -> memref<1x1x4096xf32, #tpu.memory_space<hbm>>
    %dma_wait3A_453 = tpu.memref_squeeze %dma_wait3A_452 : memref<1x1x4096xf32, #tpu.memory_space<hbm>> -> memref<4096xf32, #tpu.memory_space<hbm>>
    %dma_wait3A_454 = arith.constant 0 : i32
    %dma_wait3A_455 = tpu.memref_slice %arg7[%dma_wait3A_444, %dma_wait3A_454] : memref<16x4096xf32, #tpu.memory_space<vmem>> -> memref<1x4096xf32, #tpu.memory_space<vmem>>
    %dma_wait3A_456 = tpu.memref_squeeze %dma_wait3A_455 : memref<1x4096xf32, #tpu.memory_space<vmem>> -> memref<4096xf32, #tpu.memory_space<vmem>>
    tpu.wait_dma2 semaphore(%arg8 : memref<!tpu.dma_semaphore, #tpu.memory_space<semaphore_mem>>) src(%dma_wait3A_456 : memref<4096xf32, #tpu.memory_space<vmem>>) dst(%dma_wait3A_453 : memref<4096xf32, #tpu.memory_space<hbm>>)
    %dma_wait3A_457 = arith.constant 10 : i32
    %dma_wait3A_458 = arith.constant 0 : i32
    %dma_wait3A_459 = tpu.memref_slice %arg7[%dma_wait3A_457, %dma_wait3A_458] : memref<16x4096xf32, #tpu.memory_space<vmem>> -> memref<1x4096xf32, #tpu.memory_space<vmem>>
    %dma_wait3A_460 = tpu.memref_squeeze %dma_wait3A_459 : memref<1x4096xf32, #tpu.memory_space<vmem>> -> memref<4096xf32, #tpu.memory_space<vmem>>
    %dma_wait3A_461 = arith.constant 0 : i32
    %dma_wait3A_462 = tpu.memref_slice %arg4[%select_n3A, %add3A_228, %dma_wait3A_461] : memref<8x64x4096xf32, #tpu.memory_space<hbm>> -> memref<1x1x4096xf32, #tpu.memory_space<hbm>>
    %dma_wait3A_463 = tpu.memref_squeeze %dma_wait3A_462 : memref<1x1x4096xf32, #tpu.memory_space<hbm>> -> memref<4096xf32, #tpu.memory_space<hbm>>
    %dma_wait3A_464 = arith.constant 0 : i32
    %dma_wait3A_465 = tpu.memref_slice %arg4[%select_n3A, %add3A_228, %dma_wait3A_464] : memref<8x64x4096xf32, #tpu.memory_space<hbm>> -> memref<1x1x4096xf32, #tpu.memory_space<hbm>>
    %dma_wait3A_466 = tpu.memref_squeeze %dma_wait3A_465 : memref<1x1x4096xf32, #tpu.memory_space<hbm>> -> memref<4096xf32, #tpu.memory_space<hbm>>
    %dma_wait3A_467 = arith.constant 0 : i32
    %dma_wait3A_468 = tpu.memref_slice %arg7[%dma_wait3A_457, %dma_wait3A_467] : memref<16x4096xf32, #tpu.memory_space<vmem>> -> memref<1x4096xf32, #tpu.memory_space<vmem>>
    %dma_wait3A_469 = tpu.memref_squeeze %dma_wait3A_468 : memref<1x4096xf32, #tpu.memory_space<vmem>> -> memref<4096xf32, #tpu.memory_space<vmem>>
    tpu.wait_dma2 semaphore(%arg8 : memref<!tpu.dma_semaphore, #tpu.memory_space<semaphore_mem>>) src(%dma_wait3A_469 : memref<4096xf32, #tpu.memory_space<vmem>>) dst(%dma_wait3A_466 : memref<4096xf32, #tpu.memory_space<hbm>>)
    %dma_wait3A_470 = arith.constant 11 : i32
    %dma_wait3A_471 = arith.constant 0 : i32
    %dma_wait3A_472 = tpu.memref_slice %arg7[%dma_wait3A_470, %dma_wait3A_471] : memref<16x4096xf32, #tpu.memory_space<vmem>> -> memref<1x4096xf32, #tpu.memory_space<vmem>>
    %dma_wait3A_473 = tpu.memref_squeeze %dma_wait3A_472 : memref<1x4096xf32, #tpu.memory_space<vmem>> -> memref<4096xf32, #tpu.memory_space<vmem>>
    %dma_wait3A_474 = arith.constant 0 : i32
    %dma_wait3A_475 = tpu.memref_slice %arg4[%select_n3A, %add3A_245, %dma_wait3A_474] : memref<8x64x4096xf32, #tpu.memory_space<hbm>> -> memref<1x1x4096xf32, #tpu.memory_space<hbm>>
    %dma_wait3A_476 = tpu.memref_squeeze %dma_wait3A_475 : memref<1x1x4096xf32, #tpu.memory_space<hbm>> -> memref<4096xf32, #tpu.memory_space<hbm>>
    %dma_wait3A_477 = arith.constant 0 : i32
    %dma_wait3A_478 = tpu.memref_slice %arg4[%select_n3A, %add3A_245, %dma_wait3A_477] : memref<8x64x4096xf32, #tpu.memory_space<hbm>> -> memref<1x1x4096xf32, #tpu.memory_space<hbm>>
    %dma_wait3A_479 = tpu.memref_squeeze %dma_wait3A_478 : memref<1x1x4096xf32, #tpu.memory_space<hbm>> -> memref<4096xf32, #tpu.memory_space<hbm>>
    %dma_wait3A_480 = arith.constant 0 : i32
    %dma_wait3A_481 = tpu.memref_slice %arg7[%dma_wait3A_470, %dma_wait3A_480] : memref<16x4096xf32, #tpu.memory_space<vmem>> -> memref<1x4096xf32, #tpu.memory_space<vmem>>
    %dma_wait3A_482 = tpu.memref_squeeze %dma_wait3A_481 : memref<1x4096xf32, #tpu.memory_space<vmem>> -> memref<4096xf32, #tpu.memory_space<vmem>>
    tpu.wait_dma2 semaphore(%arg8 : memref<!tpu.dma_semaphore, #tpu.memory_space<semaphore_mem>>) src(%dma_wait3A_482 : memref<4096xf32, #tpu.memory_space<vmem>>) dst(%dma_wait3A_479 : memref<4096xf32, #tpu.memory_space<hbm>>)
    %dma_wait3A_483 = arith.constant 12 : i32
    %dma_wait3A_484 = arith.constant 0 : i32
    %dma_wait3A_485 = tpu.memref_slice %arg7[%dma_wait3A_483, %dma_wait3A_484] : memref<16x4096xf32, #tpu.memory_space<vmem>> -> memref<1x4096xf32, #tpu.memory_space<vmem>>
    %dma_wait3A_486 = tpu.memref_squeeze %dma_wait3A_485 : memref<1x4096xf32, #tpu.memory_space<vmem>> -> memref<4096xf32, #tpu.memory_space<vmem>>
    %dma_wait3A_487 = arith.constant 0 : i32
    %dma_wait3A_488 = tpu.memref_slice %arg4[%select_n3A, %add3A_262, %dma_wait3A_487] : memref<8x64x4096xf32, #tpu.memory_space<hbm>> -> memref<1x1x4096xf32, #tpu.memory_space<hbm>>
    %dma_wait3A_489 = tpu.memref_squeeze %dma_wait3A_488 : memref<1x1x4096xf32, #tpu.memory_space<hbm>> -> memref<4096xf32, #tpu.memory_space<hbm>>
    %dma_wait3A_490 = arith.constant 0 : i32
    %dma_wait3A_491 = tpu.memref_slice %arg4[%select_n3A, %add3A_262, %dma_wait3A_490] : memref<8x64x4096xf32, #tpu.memory_space<hbm>> -> memref<1x1x4096xf32, #tpu.memory_space<hbm>>
    %dma_wait3A_492 = tpu.memref_squeeze %dma_wait3A_491 : memref<1x1x4096xf32, #tpu.memory_space<hbm>> -> memref<4096xf32, #tpu.memory_space<hbm>>
    %dma_wait3A_493 = arith.constant 0 : i32
    %dma_wait3A_494 = tpu.memref_slice %arg7[%dma_wait3A_483, %dma_wait3A_493] : memref<16x4096xf32, #tpu.memory_space<vmem>> -> memref<1x4096xf32, #tpu.memory_space<vmem>>
    %dma_wait3A_495 = tpu.memref_squeeze %dma_wait3A_494 : memref<1x4096xf32, #tpu.memory_space<vmem>> -> memref<4096xf32, #tpu.memory_space<vmem>>
    tpu.wait_dma2 semaphore(%arg8 : memref<!tpu.dma_semaphore, #tpu.memory_space<semaphore_mem>>) src(%dma_wait3A_495 : memref<4096xf32, #tpu.memory_space<vmem>>) dst(%dma_wait3A_492 : memref<4096xf32, #tpu.memory_space<hbm>>)
    %dma_wait3A_496 = arith.constant 13 : i32
    %dma_wait3A_497 = arith.constant 0 : i32
    %dma_wait3A_498 = tpu.memref_slice %arg7[%dma_wait3A_496, %dma_wait3A_497] : memref<16x4096xf32, #tpu.memory_space<vmem>> -> memref<1x4096xf32, #tpu.memory_space<vmem>>
    %dma_wait3A_499 = tpu.memref_squeeze %dma_wait3A_498 : memref<1x4096xf32, #tpu.memory_space<vmem>> -> memref<4096xf32, #tpu.memory_space<vmem>>
    %dma_wait3A_500 = arith.constant 0 : i32
    %dma_wait3A_501 = tpu.memref_slice %arg4[%select_n3A, %add3A_279, %dma_wait3A_500] : memref<8x64x4096xf32, #tpu.memory_space<hbm>> -> memref<1x1x4096xf32, #tpu.memory_space<hbm>>
    %dma_wait3A_502 = tpu.memref_squeeze %dma_wait3A_501 : memref<1x1x4096xf32, #tpu.memory_space<hbm>> -> memref<4096xf32, #tpu.memory_space<hbm>>
    %dma_wait3A_503 = arith.constant 0 : i32
    %dma_wait3A_504 = tpu.memref_slice %arg4[%select_n3A, %add3A_279, %dma_wait3A_503] : memref<8x64x4096xf32, #tpu.memory_space<hbm>> -> memref<1x1x4096xf32, #tpu.memory_space<hbm>>
    %dma_wait3A_505 = tpu.memref_squeeze %dma_wait3A_504 : memref<1x1x4096xf32, #tpu.memory_space<hbm>> -> memref<4096xf32, #tpu.memory_space<hbm>>
    %dma_wait3A_506 = arith.constant 0 : i32
    %dma_wait3A_507 = tpu.memref_slice %arg7[%dma_wait3A_496, %dma_wait3A_506] : memref<16x4096xf32, #tpu.memory_space<vmem>> -> memref<1x4096xf32, #tpu.memory_space<vmem>>
    %dma_wait3A_508 = tpu.memref_squeeze %dma_wait3A_507 : memref<1x4096xf32, #tpu.memory_space<vmem>> -> memref<4096xf32, #tpu.memory_space<vmem>>
    tpu.wait_dma2 semaphore(%arg8 : memref<!tpu.dma_semaphore, #tpu.memory_space<semaphore_mem>>) src(%dma_wait3A_508 : memref<4096xf32, #tpu.memory_space<vmem>>) dst(%dma_wait3A_505 : memref<4096xf32, #tpu.memory_space<hbm>>)
    %dma_wait3A_509 = arith.constant 14 : i32
    %dma_wait3A_510 = arith.constant 0 : i32
    %dma_wait3A_511 = tpu.memref_slice %arg7[%dma_wait3A_509, %dma_wait3A_510] : memref<16x4096xf32, #tpu.memory_space<vmem>> -> memref<1x4096xf32, #tpu.memory_space<vmem>>
    %dma_wait3A_512 = tpu.memref_squeeze %dma_wait3A_511 : memref<1x4096xf32, #tpu.memory_space<vmem>> -> memref<4096xf32, #tpu.memory_space<vmem>>
    %dma_wait3A_513 = arith.constant 0 : i32
    %dma_wait3A_514 = tpu.memref_slice %arg4[%select_n3A, %add3A_296, %dma_wait3A_513] : memref<8x64x4096xf32, #tpu.memory_space<hbm>> -> memref<1x1x4096xf32, #tpu.memory_space<hbm>>
    %dma_wait3A_515 = tpu.memref_squeeze %dma_wait3A_514 : memref<1x1x4096xf32, #tpu.memory_space<hbm>> -> memref<4096xf32, #tpu.memory_space<hbm>>
    %dma_wait3A_516 = arith.constant 0 : i32
    %dma_wait3A_517 = tpu.memref_slice %arg4[%select_n3A, %add3A_296, %dma_wait3A_516] : memref<8x64x4096xf32, #tpu.memory_space<hbm>> -> memref<1x1x4096xf32, #tpu.memory_space<hbm>>
    %dma_wait3A_518 = tpu.memref_squeeze %dma_wait3A_517 : memref<1x1x4096xf32, #tpu.memory_space<hbm>> -> memref<4096xf32, #tpu.memory_space<hbm>>
    %dma_wait3A_519 = arith.constant 0 : i32
    %dma_wait3A_520 = tpu.memref_slice %arg7[%dma_wait3A_509, %dma_wait3A_519] : memref<16x4096xf32, #tpu.memory_space<vmem>> -> memref<1x4096xf32, #tpu.memory_space<vmem>>
    %dma_wait3A_521 = tpu.memref_squeeze %dma_wait3A_520 : memref<1x4096xf32, #tpu.memory_space<vmem>> -> memref<4096xf32, #tpu.memory_space<vmem>>
    tpu.wait_dma2 semaphore(%arg8 : memref<!tpu.dma_semaphore, #tpu.memory_space<semaphore_mem>>) src(%dma_wait3A_521 : memref<4096xf32, #tpu.memory_space<vmem>>) dst(%dma_wait3A_518 : memref<4096xf32, #tpu.memory_space<hbm>>)
    %dma_wait3A_522 = arith.constant 15 : i32
    %dma_wait3A_523 = arith.constant 0 : i32
    %dma_wait3A_524 = tpu.memref_slice %arg7[%dma_wait3A_522, %dma_wait3A_523] : memref<16x4096xf32, #tpu.memory_space<vmem>> -> memref<1x4096xf32, #tpu.memory_space<vmem>>
    %dma_wait3A_525 = tpu.memref_squeeze %dma_wait3A_524 : memref<1x4096xf32, #tpu.memory_space<vmem>> -> memref<4096xf32, #tpu.memory_space<vmem>>
    %dma_wait3A_526 = arith.constant 0 : i32
    %dma_wait3A_527 = tpu.memref_slice %arg4[%select_n3A, %add3A_313, %dma_wait3A_526] : memref<8x64x4096xf32, #tpu.memory_space<hbm>> -> memref<1x1x4096xf32, #tpu.memory_space<hbm>>
    %dma_wait3A_528 = tpu.memref_squeeze %dma_wait3A_527 : memref<1x1x4096xf32, #tpu.memory_space<hbm>> -> memref<4096xf32, #tpu.memory_space<hbm>>
    %dma_wait3A_529 = arith.constant 0 : i32
    %dma_wait3A_530 = tpu.memref_slice %arg4[%select_n3A, %add3A_313, %dma_wait3A_529] : memref<8x64x4096xf32, #tpu.memory_space<hbm>> -> memref<1x1x4096xf32, #tpu.memory_space<hbm>>
    %dma_wait3A_531 = tpu.memref_squeeze %dma_wait3A_530 : memref<1x1x4096xf32, #tpu.memory_space<hbm>> -> memref<4096xf32, #tpu.memory_space<hbm>>
    %dma_wait3A_532 = arith.constant 0 : i32
    %dma_wait3A_533 = tpu.memref_slice %arg7[%dma_wait3A_522, %dma_wait3A_532] : memref<16x4096xf32, #tpu.memory_space<vmem>> -> memref<1x4096xf32, #tpu.memory_space<vmem>>
    %dma_wait3A_534 = tpu.memref_squeeze %dma_wait3A_533 : memref<1x4096xf32, #tpu.memory_space<vmem>> -> memref<4096xf32, #tpu.memory_space<vmem>>
    tpu.wait_dma2 semaphore(%arg8 : memref<!tpu.dma_semaphore, #tpu.memory_space<semaphore_mem>>) src(%dma_wait3A_534 : memref<4096xf32, #tpu.memory_space<vmem>>) dst(%dma_wait3A_531 : memref<4096xf32, #tpu.memory_space<hbm>>)
    return
  }
}

module attributes {stable_mosaic.version = 14 : i64} {
  func.func @_tc_body(%arg0: i32, %arg1: i32, %arg2: memref<1x64x64x64xf32, #tpu.memory_space<vmem>>, %arg3: memref<1024x64xf32, #tpu.memory_space<vmem>>, %arg4: memref<1x1x4096xi32, #tpu.memory_space<vmem>>, %arg5: memref<1x1xf32, #tpu.memory_space<smem>>, %arg6: memref<64x1024xf32, #tpu.memory_space<vmem>>, %arg7: memref<1024x64xf32, #tpu.memory_space<vmem>>, %arg8: memref<1024x1xf32, #tpu.memory_space<vmem>>) attributes {dimension_semantics = [#tpu.dimension_semantics<arbitrary>, #tpu.dimension_semantics<arbitrary>], iteration_bounds = array<i64: 8, 1>, scalar_prefetch = 0 : i64, scratch_operands = 2 : i64, tpu.core_type = #tpu.core_type<tc>, window_params = [{transform_indices = @transform_0, window_bounds = array<i64: 1, 64, 64, 64>}, {pipeline_mode = #tpu.pipeline_mode<synchronous>, transform_indices = @transform_1, window_bounds = array<i64: 1024, 64>}, {transform_indices = @transform_2, window_bounds = array<i64: 1, 1, 4096>}, {transform_indices = @transform_3, window_bounds = array<i64: 1, 1>}, {pipeline_mode = #tpu.pipeline_mode<synchronous>, transform_indices = @transform_4, window_bounds = array<i64: 64, 1024>}]} {
    %eq3A = arith.constant 0 : i32
    %eq3A_0 = arith.cmpi eq, %arg0, %eq3A : i32
    %eq3A_1 = arith.constant 0 : i32
    %eq3A_2 = arith.cmpi eq, %arg1, %eq3A_1 : i32
    %and3A = arith.andi %eq3A_0, %eq3A_2 : i1
    %eq3A_3 = arith.constant 7 : i32
    %eq3A_4 = arith.cmpi eq, %arg0, %eq3A_3 : i32
    %eq3A_5 = arith.constant 0 : i32
    %eq3A_6 = arith.cmpi eq, %arg1, %eq3A_5 : i32
    %and3A_7 = arith.andi %eq3A_4, %eq3A_6 : i1
    %convert_element_type3A = arith.extui %and3A : i1 to i32
    %cond3A = arith.constant 0 : i32
    %cond3A_8 = arith.cmpi ne, %convert_element_type3A, %cond3A : i32
    scf.if %cond3A_8 {
      %get3A_49 = arith.constant 0 : index
      %get3A_50 = arith.constant 0 : index
      %get3A_51 = vector.load %arg3[%get3A_49, %get3A_50] : memref<1024x64xf32, #tpu.memory_space<vmem>>, vector<1024x64xf32>
      %mul3A_52 = arith.constant -2.000000e+00 : f32
      %mul3A_53 = vector.broadcast %mul3A_52 : f32 to vector<1024x64xf32>
      %mul3A_54 = arith.mulf %mul3A_53, %get3A_51 : vector<1024x64xf32>
      %swap3A_55 = arith.constant 0 : index
      %swap3A_56 = arith.constant 0 : index
      %swap3A_57 = vector.load %arg7[%swap3A_55, %swap3A_56] : memref<1024x64xf32, #tpu.memory_space<vmem>>, vector<1024x64xf32>
      tpu.vector_store %arg7[%swap3A_55, %swap3A_56], %mul3A_54 {strides = array<i32>} : memref<1024x64xf32, #tpu.memory_space<vmem>>, vector<1024x64xf32>,
      %mul3A_58 = arith.mulf %get3A_51, %get3A_51 : vector<1024x64xf32>
      %reduce_sum3A_59 = arith.constant dense<0.000000e+00> : vector<1024xf32>
      %reduce_sum3A_60 = vector.multi_reduction <add>, %mul3A_58, %reduce_sum3A_59 [1] : vector<1024x64xf32> to vector<1024xf32>
      %broadcast_in_dim3A_61 = vector.shape_cast %reduce_sum3A_60 : vector<1024xf32> to vector<1024x1xf32>
      %swap3A_62 = arith.constant 0 : index
      %swap3A_63 = arith.constant 0 : index
      %swap3A_64 = vector.load %arg8[%swap3A_62, %swap3A_63] : memref<1024x1xf32, #tpu.memory_space<vmem>>, vector<1024x1xf32>
      tpu.vector_store %arg8[%swap3A_62, %swap3A_63], %broadcast_in_dim3A_61 {strides = array<i32>} : memref<1024x1xf32, #tpu.memory_space<vmem>>, vector<1024x1xf32>,
      %transpose3A = tpu.transpose %get3A_51, [1, 0] : vector<1024x64xf32> -> vector<64x1024xf32>
      %swap3A_65 = arith.constant 0 : index
      %swap3A_66 = arith.constant 0 : index
      %swap3A_67 = vector.load %arg6[%swap3A_65, %swap3A_66] : memref<64x1024xf32, #tpu.memory_space<vmem>>, vector<64x1024xf32>
      tpu.vector_store %arg6[%swap3A_65, %swap3A_66], %transpose3A {strides = array<i32>} : memref<64x1024xf32, #tpu.memory_space<vmem>>, vector<64x1024xf32>,
      %swap3A_68 = arith.constant 0.000000e+00 : f32
      %swap3A_69 = arith.constant 0 : index
      %swap3A_70 = arith.constant 0 : index
      %swap3A_71 = memref.load %arg5[%swap3A_69, %swap3A_70] : memref<1x1xf32, #tpu.memory_space<smem>>
      memref.store %swap3A_68, %arg5[%swap3A_69, %swap3A_70] : memref<1x1xf32, #tpu.memory_space<smem>>
    } else {
    }
    %get3A = arith.constant 0 : index
    %get3A_9 = arith.constant 0 : index
    %get3A_10 = arith.constant 0 : index
    %get3A_11 = arith.constant 0 : index
    %get3A_12 = vector.load %arg2[%get3A, %get3A_9, %get3A_10, %get3A_11] : memref<1x64x64x64xf32, #tpu.memory_space<vmem>>, vector<1x64x64x64xf32>
    %get3A_13 = vector.shape_cast %get3A_12 : vector<1x64x64x64xf32> to vector<64x64x64xf32>
    %reshape3A = vector.shape_cast %get3A_13 : vector<64x64x64xf32> to vector<64x4096xf32>
    %get3A_14 = arith.constant 0 : index
    %get3A_15 = arith.constant 0 : index
    %get3A_16 = vector.load %arg7[%get3A_14, %get3A_15] : memref<1024x64xf32, #tpu.memory_space<vmem>>, vector<1024x64xf32>
    %dot_general3A = arith.constant dense<0.000000e+00> : vector<1024x4096xf32>
    %dot_general3A_17 = tpu.matmul %get3A_16, %reshape3A, %dot_general3A {dimension_numbers = #tpu.dot_dimension_numbers<[1], [0], [0], [1], [0, 0, 1, 1], [], []>, transpose_lhs_hint = false} : vector<1024x64xf32>, vector<64x4096xf32>, vector<1024x4096xf32> -> vector<1024x4096xf32>
    %get3A_18 = arith.constant 0 : index
    %get3A_19 = arith.constant 0 : index
    %get3A_20 = vector.load %arg8[%get3A_18, %get3A_19] : memref<1024x1xf32, #tpu.memory_space<vmem>>, vector<1024x1xf32>
    %add3A = vector.broadcast %get3A_20 : vector<1024x1xf32> to vector<1024x4096xf32>
    %add3A_21 = arith.addf %dot_general3A_17, %add3A : vector<1024x4096xf32>
    %reduce_min3A = arith.constant dense<0x7F800000> : vector<4096xf32>
    %reduce_min3A_22 = vector.multi_reduction <minimumf>, %add3A_21, %reduce_min3A [0] : vector<1024x4096xf32> to vector<4096xf32>
    %broadcast_in_dim3A = vector.shape_cast %reduce_min3A_22 : vector<4096xf32> to vector<1x4096xf32>
    %argmin3A = tpu.reduce_index %add3A_21 {axis = 0 : i32, kind = #tpu.reduction_kind<arg_min>} : vector<1024x4096xf32> -> vector<4096xi32>
    %broadcast_in_dim3A_23 = vector.shape_cast %argmin3A : vector<4096xi32> to vector<1x4096xi32>
    %swap3A = arith.constant 0 : index
    %swap3A_24 = arith.constant 0 : index
    %swap3A_25 = arith.constant 0 : index
    %swap3A_26 = vector.load %arg4[%swap3A, %swap3A_24, %swap3A_25] : memref<1x1x4096xi32, #tpu.memory_space<vmem>>, vector<1x1x4096xi32>
    %swap3A_27 = vector.shape_cast %swap3A_26 : vector<1x1x4096xi32> to vector<1x4096xi32>
    %swap3A_28 = vector.shape_cast %broadcast_in_dim3A_23 : vector<1x4096xi32> to vector<1x1x4096xi32>
    tpu.vector_store %arg4[%swap3A, %swap3A_24, %swap3A_25], %swap3A_28 {strides = array<i32>} : memref<1x1x4096xi32, #tpu.memory_space<vmem>>, vector<1x1x4096xi32>,
    %get3A_29 = arith.constant 0 : index
    %get3A_30 = arith.constant 0 : index
    %get3A_31 = memref.load %arg5[%get3A_29, %get3A_30] : memref<1x1xf32, #tpu.memory_space<smem>>
    %mul3A = arith.mulf %reshape3A, %reshape3A : vector<64x4096xf32>
    %reduce_sum3A = vector.shape_cast %mul3A : vector<64x4096xf32> to vector<1x64x4096xf32>
    %reduce_sum3A_32 = arith.constant dense<0.000000e+00> : vector<1xf32>
    %reduce_sum3A_33 = vector.multi_reduction <add>, %reduce_sum3A, %reduce_sum3A_32 [1, 2] : vector<1x64x4096xf32> to vector<1xf32>
    %reduce_sum3A_34 = vector.shape_cast %reduce_sum3A_33 : vector<1xf32> to vector<1x1x1xf32>
    %reduce_sum3A_35 = vector.extract %reduce_sum3A_34[0, 0, 0] : f32 from vector<1x1x1xf32>
    %reduce_sum3A_36 = vector.shape_cast %broadcast_in_dim3A : vector<1x4096xf32> to vector<1x1x4096xf32>
    %reduce_sum3A_37 = arith.constant dense<0.000000e+00> : vector<1xf32>
    %reduce_sum3A_38 = vector.multi_reduction <add>, %reduce_sum3A_36, %reduce_sum3A_37 [1, 2] : vector<1x1x4096xf32> to vector<1xf32>
    %reduce_sum3A_39 = vector.shape_cast %reduce_sum3A_38 : vector<1xf32> to vector<1x1x1xf32>
    %reduce_sum3A_40 = vector.extract %reduce_sum3A_39[0, 0, 0] : f32 from vector<1x1x1xf32>
    %add3A_41 = arith.addf %reduce_sum3A_35, %reduce_sum3A_40 : f32
    %add3A_42 = arith.addf %get3A_31, %add3A_41 : f32
    %swap3A_43 = arith.constant 0 : index
    %swap3A_44 = arith.constant 0 : index
    %swap3A_45 = memref.load %arg5[%swap3A_43, %swap3A_44] : memref<1x1xf32, #tpu.memory_space<smem>>
    memref.store %add3A_42, %arg5[%swap3A_43, %swap3A_44] : memref<1x1xf32, #tpu.memory_space<smem>>
    %convert_element_type3A_46 = arith.extui %and3A_7 : i1 to i32
    %cond3A_47 = arith.constant 0 : i32
    %cond3A_48 = arith.cmpi ne, %convert_element_type3A_46, %cond3A_47 : i32
    scf.if %cond3A_48 {
      %get3A_49 = arith.constant 0 : index
      %get3A_50 = arith.constant 0 : index
      %get3A_51 = memref.load %arg5[%get3A_49, %get3A_50] : memref<1x1xf32, #tpu.memory_space<smem>>
      %mul3A_52 = arith.constant 1.1920929E-6 : f32
      %mul3A_53 = arith.mulf %get3A_51, %mul3A_52 : f32
      %swap3A_54 = arith.constant 0 : index
      %swap3A_55 = arith.constant 0 : index
      %swap3A_56 = memref.load %arg5[%swap3A_54, %swap3A_55] : memref<1x1xf32, #tpu.memory_space<smem>>
      memref.store %mul3A_53, %arg5[%swap3A_54, %swap3A_55] : memref<1x1xf32, #tpu.memory_space<smem>>
    } else {
    }
    return
  }
  func.func @transform_0(%arg0: i32, %arg1: i32) -> (i32, i32, i32, i32) {
    %c0_i32 = arith.constant 0 : i32
    %c0_i32_0 = arith.constant 0 : i32
    %c0_i32_1 = arith.constant 0 : i32
    %c0_i32_2 = arith.constant 0 : i32
    return %arg0, %c0_i32, %c0_i32_0, %c0_i32_1 : i32, i32, i32, i32
  }
  func.func @transform_1(%arg0: i32, %arg1: i32) -> (i32, i32) {
    %c0_i32 = arith.constant 0 : i32
    %c0_i32_0 = arith.constant 0 : i32
    %c0_i32_1 = arith.constant 0 : i32
    return %c0_i32, %c0_i32_0 : i32, i32
  }
  func.func @transform_2(%arg0: i32, %arg1: i32) -> (i32, i32, i32) {
    %mul3A = arith.constant 1 : i32
    %mul3A_0 = arith.muli %arg0, %mul3A : i32
    %add3A = arith.addi %mul3A_0, %arg1 : i32
    %c0_i32 = arith.constant 0 : i32
    %c0_i32_1 = arith.constant 0 : i32
    %c0_i32_2 = arith.constant 0 : i32
    return %add3A, %c0_i32, %c0_i32_1 : i32, i32, i32
  }
  func.func @transform_3(%arg0: i32, %arg1: i32) -> (i32, i32) {
    %c0_i32 = arith.constant 0 : i32
    %c0_i32_0 = arith.constant 0 : i32
    %c0_i32_1 = arith.constant 0 : i32
    return %c0_i32, %c0_i32_0 : i32, i32
  }
  func.func @transform_4(%arg0: i32, %arg1: i32) -> (i32, i32) {
    %c0_i32 = arith.constant 0 : i32
    %c0_i32_0 = arith.constant 0 : i32
    %c0_i32_1 = arith.constant 0 : i32
    return %c0_i32, %c0_i32_0 : i32, i32
  }
}

</mosaic_0001>

<sc_bundles>
// kernel: kernel.4.cloned.1.call-start
scs
__scs_entry_jumppad:
0x0: {  	(pc) =	sbr.rel $0x88, $3  }
0x1: {  	(tag) =	ssettag $0x0;
	lr =	simm.s32 $0x1  }
0x2: {  	[smem:$0x3F9F] =	sst lr;
	_ =	strace $0xD0000000  }
0x3: {  	_ = 	snop  }
0x4: {  	_ = 	snop  }
0x5: {  	_ = 	snop  }
0x6: {  	_ = 	snop  }
0x7: {  	_ = 	snop  }
__scs_overlays_trampoline_lowered:
0x8: {  	[smem:$0x3FAE] =	sst s0  }
0x9: {  	[smem:$0x3FAF] =	sst s1  }
0xa: {  	[smem:$0x3FB0] =	sst s2  }
0xb: {  	[smem:$0x3FB1] =	sst s3  }
0xc: {  	[smem:$0x3FB2] =	sst s4  }
0xd: {  	[smem:$0x3FB3] =	sst s5  }
0xe: {  	[smem:$0x3FB4] =	sst s6  }
0xf: {  	[smem:$0x3FB5] =	sst s7  }
0x10: {  	[smem:$0x3FB6] =	sst s8  }
0x11: {  	[smem:$0x3FB7] =	sst s9;
	s0 =	simm.s32 @!p0 $0x0  }
0x12: {  	s1 =	sld [smem:$0x3F9D];
	s0 =	simm.s32 @p0 $0x1  }
0x13: {  	[smem:$0x3FB8] =	sst s0;
	s0 =	simm.s32 @!p1 $0x0  }
0x14: {  	s2 =	sld [smem:$0x3F9C];
	s0 =	simm.s32 @p1 $0x1  }
0x15: {  	[smem:$0x3FB9] =	sst s0;
	s0 =	simm.s32 @!p2 $0x0  }
0x16: {  	s3 =	sld [smem:$0x3FDB];
	s0 =	simm.s32 @p2 $0x1  }
0x17: {  	s4 =	simm.s32 $0x1BF5;
	[smem:$0x3FBB] =	sst s0  }
0x18: {  	s0 =	sld [smem:$0x3F9E];
	_ =	swait.ge [sflag:s4], $0x0  }
0x19: {  	s7 =	sld [smem:$0x3F9F]  }
0x1a: {  	s8 =	sadd.s32 $0xFFFFE003, lr  }
0x1b: {  	s9 =	sadd.s32 $0xFFFFFEF7, lr;
	s5 =	simm.s32 $0xFFFFFFFF;
	p2 =	slt.u32 s8, $0xFFFFF086  }
0x1c: {  	p1 =	slt.u32 s9, $0xF7A;
	s5 =	simm.s32 @!p2 $0x0  }
0x1d: {  	s5 =	simm.s32 @p1 $0x1;
	p0 =	seq.s32 s7, s2  }
0x1e: {  	s7 =	smul.u32 @!p0 $0xF7A, s2;
	p2 =	seq.s32 @!p0 s5, $0x0  }
0x1f: {  	s9 =	smul.u32 $0xF7A, s1;
	s8 =	simm.s32 @!p0 $0x1BF5;
	p2 =	por !p2, p0  }
0x20: {  	[sflag:s8] =	ssyncset.s32 @!p0 $0xFFFFF086;
	s6 =	sadd.s32 @!p0 s3, s7;
	s7 =	simm.s32 @!p0 $0x108  }
0x21: {  	s3 =	sadd.s32 s3, s9;
	s6 =	sadd.s32 @!p0 $0x88, s6;
	s7 =	simm.s32 @p2 $0x1082  }
0x22: {  	[simem:s7], [sflag:s8] =	dma.local @!p0 [hbm:s6], $0xF7A  }
0x23: {  	s9 =	sor.u32 $0xD0000000, s2;
	s6 =	simm.s32 $0x108;
	_ =	swait.ge @!p0 [sflag:s8], $0x0  }
0x24: {  	s3 =	sadd.s32 $0x88, s3;
	s6 =	simm.s32 @!p1 $0x1082;
	[sflag:s4] =	ssyncset.s32 $0xFFFFF086  }
0x25: {  	[simem:s6], [sflag:s4] =	dma.local [hbm:s3], $0xF7A  }
0x26: {  	[smem:$0x3F9F] =	sst s1;
	(tag) =	ssettag s2;
	_ =	strace s9  }
0x27: {  	s1 =	sld [smem:$0x3FAF]  }
0x28: {  	s2 =	sld [smem:$0x3FB0]  }
0x29: {  	s4 =	sld [smem:$0x3FB2]  }
0x2a: {  	p0 =	seq.s32 s5, $0x0;
	s5 =	sld [smem:$0x3FB3]  }
0x2b: {  	s6 =	sld [smem:$0x3FB4]  }
0x2c: {  	s7 =	sld [smem:$0x3FB5]  }
0x2d: {  	s3 =	simm.s32 $0x108;
	s8 =	sld [smem:$0x3FB6]  }
0x2e: {  	s3 =	simm.s32 @!p0 $0x1082;
	s9 =	sld [smem:$0x3FB7]  }
0x2f: {  	lr =	sadd.s32 s0, s3;
	s0 =	sld [smem:$0x3FAE]  }
0x30: {  	s3 =	sld [smem:$0x3FB1]  }
0x31: {  	[smem:$0x3FBA] =	sst s10  }
0x32: {  	s10 =	sld [smem:$0x3FB8];
	_ =	sdelay $0x3  }
0x33: {  	p0 =	seq.s32 s10, $0x1;
	s10 =	sld [smem:$0x3FBA];
	_ =	sdelay $0x3  }
0x34: {  	[smem:$0x3FBA] =	sst s10  }
0x35: {  	s10 =	sld [smem:$0x3FB9];
	_ =	sdelay $0x3  }
0x36: {  	p1 =	seq.s32 s10, $0x1;
	s10 =	sld [smem:$0x3FBA];
	_ =	sdelay $0x3  }
0x37: {  	[smem:$0x3FBA] =	sst s10  }
0x38: {  	s10 =	sld [smem:$0x3FBB]  }
0x39: {  	_ = 	snop;
	(pc) =	sbr.ind lr, $3  }
0x3a: {  	_ = 	snop  }
0x3b: {  	_ = 	snop  }
0x3c: {  	p2 =	seq.s32 s10, $0x1;
	s10 =	sld [smem:$0x3FBA]  }
0x3d: {  	_ =	shalt  }
0x3e: {  	_ =	shalt  }
0x3f: {  	_ =	shalt  }
0x40: {  	_ =	shalt  }
0x41: {  	_ =	shalt  }
0x42: {  	_ =	shalt  }
0x43: {  	_ =	shalt  }
0x44: {  	_ =	shalt  }
0x45: {  	_ =	shalt  }
0x46: {  	_ =	shalt  }
0x47: {  	_ =	shalt  }
0x48: {  	_ =	shalt  }
0x49: {  	_ =	shalt  }
0x4a: {  	_ =	shalt  }
0x4b: {  	_ =	shalt  }
0x4c: {  	_ =	shalt  }
0x4d: {  	_ =	shalt  }
0x4e: {  	_ =	shalt  }
0x4f: {  	_ =	shalt  }
0x50: {  	_ =	shalt  }
0x51: {  	_ =	shalt  }
0x52: {  	_ =	shalt  }
0x53: {  	_ =	shalt  }
0x54: {  	_ =	shalt  }
0x55: {  	_ =	shalt  }
0x56: {  	_ =	shalt  }
0x57: {  	_ =	shalt  }
0x58: {  	_ =	shalt  }
0x59: {  	_ =	shalt  }
0x5a: {  	_ =	shalt  }
0x5b: {  	_ =	shalt  }
0x5c: {  	_ =	shalt  }
0x5d: {  	_ =	shalt  }
0x5e: {  	_ =	shalt  }
0x5f: {  	_ =	shalt  }
0x60: {  	_ =	shalt  }
0x61: {  	_ =	shalt  }
0x62: {  	_ =	shalt  }
0x63: {  	_ =	shalt  }
0x64: {  	_ =	shalt  }
0x65: {  	_ =	shalt  }
0x66: {  	_ =	shalt  }
0x67: {  	_ =	shalt  }
0x68: {  	_ =	shalt  }
0x69: {  	_ =	shalt  }
0x6a: {  	_ =	shalt  }
0x6b: {  	_ =	shalt  }
0x6c: {  	_ =	shalt  }
0x6d: {  	_ =	shalt  }
0x6e: {  	_ =	shalt  }
0x6f: {  	_ =	shalt  }
0x70: {  	_ =	shalt  }
0x71: {  	_ =	shalt  }
0x72: {  	_ =	shalt  }
0x73: {  	_ =	shalt  }
0x74: {  	_ =	shalt  }
0x75: {  	_ =	shalt  }
0x76: {  	_ =	shalt  }
0x77: {  	_ =	shalt  }
0x78: {  	_ =	shalt  }
0x79: {  	_ =	shalt  }
0x7a: {  	_ =	shalt  }
0x7b: {  	_ =	shalt  }
0x7c: {  	_ =	shalt  }
0x7d: {  	_ =	shalt  }
0x7e: {  	_ =	shalt  }
0x7f: {  	_ =	shalt  }
0x80: {  	_ =	shalt  }
0x81: {  	_ =	shalt  }
0x82: {  	_ =	shalt  }
0x83: {  	_ =	shalt  }
0x84: {  	_ =	shalt  }
0x85: {  	_ =	shalt  }
0x86: {  	_ =	shalt  }
0x87: {  	_ =	shalt  }
.Lfunc_end0:
.L_simem_size_0:
called_computation_lowered:
.L_overlay_start_0:
0x88: {  	s2 =	sld [smem:$0x3FD9]  }
0x89: {  	s3 =	sld [smem:$0x3FFE];
	_ =	sdelay $0x1  }
0x8a: {  	s1 =	srdreg.scid  }
0x8b: {  	s0 =	sand.u32 $0x1, s1  }
0x8c: {  	s14 =	sshll.u32 s0, $0xA;
	s2 =	sadd.s32 s3, s2  }
0x8d: {  	s2 =	sadd.s32 s2, s14  }
0x8e: {  	[smem:$0x3FC6] =	sst s2  }
0x8f: {  	_ = 	snop  }
0x90: {  	s2 =	sld [smem:$0x3FD0];
	_ =	sdelay $0x2  }
0x91: {  	s15 =	simm.s32 $0xA;
	s4 =	simm.s32 $0x10  }
0x92: {  	[smem:s4], [sflag:s15] =	dma.local [hbm:s2], $0x1  }
0x93: {  	_ =	swait.eq [sflag:s15], $0x1  }
0x94: {  	[sflag:s15] =	ssyncset.done $0x0  }
0x95: {  	s16 =	sld [smem:$0x10];
	[sflag:s15] =	ssyncadd.s32 $0xFFFFFFFF  }
0x96: {  	s17 =	sld [smem:$0x14];
	(tm) =	ssettm $0x1  }
0x97: {  	s18 =	sld [smem:$0x3FFB];
	_ =	sdelay $0x3  }
0x98: {  	_ =	strace s18  }
0x99: {  	s4 =	sld [smem:$0x3FFC];
	_ =	sdelay $0x3  }
0x9a: {  	_ =	strace s4  }
0x9b: {  	s4 =	sld [smem:$0x3FFD];
	_ =	sdelay $0x3  }
0x9c: {  	_ =	strace s4  }
0x9d: {  	_ =	strace $0x8FFFFFFF  }
0x9e: {  	s19 =	sld [smem:$0x3FDB];
	_ =	sdelay $0x1  }
0x9f: {  	s5 =	simm.s32 $_scs_section_size  }
0xa0: {  	s6 =	simm.s32 $_size__tile_overlayer_lowered;
	s7 =	simm.s32 $_tile_overlayer_lowered  }
0xa1: {  	s22 =	simm.s32 $0x1BFF;
	s21 =	sshll.u32 s7, $0x1;
	s4 =	sadd.s32 s5, s19  }
0xa2: {  	s8 =	simm.s32 $0x0;
	s20 =	sshll.u32 s6, $0x1;
	s6 =	sadd.s32 s21, s4  }
0xa3: {  	[timem:s8], [sflag:s22] =	dma.local [hbm:s6], s20  }
0xa4: {  	_ =	swait.ge [sflag:s22], s20  }
0xa5: {  	s5 =	ssub.s32 $0x0, s20;
	[sflag:s22] =	ssyncset.done $0x0  }
0xa6: {  	[sflag:s22] =	ssyncadd.s32 s5;
	_ =	sdelay $0x1  }
0xa7: {  	s23 =	simm.s32 $0x1B8B  }
0xa8: {  	_ =	swait.ge [sflag:s23], $0x1  }
0xa9: {  	[sflag:s23] =	ssyncset.done $0x0  }
0xaa: {  	s25 =	simm.s32 $0x1B8E;
	s24 =	sld [smem:$0x3FFE];
	[sflag:s23] =	ssyncadd.s32 $0xFFFFFFFF  }
0xab: {  	s26 =	simm.s32 $execute0_lowered;
	[smem:$0x3FD2] =	sst s25  }
0xac: {  	s6 =	sshll.u32 s26, $0x1;
	_ =	strace $0x80000046;
	[dreg:$0x1] =	wrdreg $0xFFFFFFFF  }
0xad: {  	s28 =	simm.s32 $_size_execute0_lowered;
	s4 =	sadd.s32 s4, s6;
	[dreg:$0x0] =	wrdreg $0x0  }
0xae: {  	s6 =	sshll.u32 s28, $0x1;
	[dreg:$0x2] =	wrdreg s4  }
0xaf: {  	[dreg:$0x3] =	wrdreg s6  }
0xb0: {  	[dreg:$0x4] =	wrdreg $0xC0  }
0xb1: {  	_ =	task [dreg:s8], $0x5FFFF  }
0xb2: {  	[dreg:$0x1] =	wrdreg $0xFFFFFFFF  }
0xb3: {  	[dreg:$0x0] =	wrdreg $0x60  }
0xb4: {  	[dreg:$0x2] =	wrdreg s17  }
0xb5: {  	[dreg:$0x3] =	wrdreg s16  }
0xb6: {  	[dreg:$0x4] =	wrdreg s24  }
0xb7: {  	[dreg:$0x5] =	wrdreg $0x9  }
0xb8: {  	_ =	task.clear_ibuf [dreg:s8], $0x6FFFF;
	_ =	strace $0x90000046  }
0xb9: {  	s29 =	simm.s32 $0x9;
	_ =	strace $0x80000048  }
0xba: {  	_ =	swait.ge [sflag:s29], $0x1  }
0xbb: {  	[sflag:s29] =	ssyncadd.s32 $0xFFFFFFFF  }
0xbc: {  	_ =	strace $0x90000048  }
0xbd: {  	_ =	sfence  }
0xbe: {  	s30 =	sld [smem:$0x0];
	_ =	sdelay $0x2  }
0xbf: {  	s31 =	sshll.u32 s1, $0xD;
	s1 =	sshrl.u32 s1, $0x2  }
0xc0: {  	s3 =	sand.u32 $0x4000, s31;
	s1 =	sadd.s32 s1, s30  }
0xc1: {  	s0 =	sor.u32 s3, s0;
	s1 =	sshll.u32 s1, $0x11  }
0xc2: {  	s0 =	sor.u32 s1, s0  }
0xc3: {  	s0 =	sadd.s32 $0x8F2B, s0  }
0xc4: {  	[sflag:s0] =	ssyncadd.remote.s32 $0x1  }
0xc5: {  	_ =	sfence.sel $0xFFFF  }
0xc6: {  	[dreg:$0x0] =	wrdreg $0xFFFFFFFF;
	(pc) =	sbr.abs _section_cstart, $3  }
0xc7: {  	[dreg:$0x1] =	wrdreg $0xFFFFFFFF  }
0xc8: {  	_ =	task.clear_ibuf [dreg:s8], $0x2FFFF;
	_ =	strace $0x9FFFFFFF  }
0xc9: {  	(tm) =	ssettm $0x7FFFFFFF  }
tec
execute0_lowered:
.L_overlay_start_1:
0x0: {  	(tag) =	ssettag $0x1  }
0x1: {  	s0 =	rddreg [dreg:$0x0]  }
0x2: {  	s1 =	rddreg [dreg:$0x1]  }
0x3: {  	s3 =	rddreg [dreg:$0x2]  }
0x4: {  	s4 =	srdreg.scid;
	s2 =	simm.s32 $0x0;
	s9 =	stileid.u32  }
0x5: {  	s4 =	sand.u32 $0x1, s4;
	[smem:$0x7FF] =	sst s2;
	s6 =	sshll.u32 s9, $0x1  }
0x6: {  	s8 =	sadd.s32 $0xC00, s3;
	s20 =	sshrl.u32 s9, $0x1;
	s6 =	sand.u32 $0x2, s6  }
0x7: {  	s5 =	ssub.s32 $0x2, s4;
	_ =	strace $0x80000047;
	s4 =	sor.u32 s4, s6  }
0x8: {  	s7 =	sshrl.u32 s5, $0x1;
	s21 =	sshll.u32 s4, $0xD;
	s4 =	sshll.u32 s4, $0xB  }
0x9: {  	s22 =	sshll.u32 s20, $0x9;
	s5 =	ssub.s32 s5, s7;
	s0 =	sadd.s32 s0, s4  }
0xa: {  	s23 =	sshll.u32 s20, $0xF;
	s31 =	smax.u32 s5, $0x1;
	[dreg:$0x9] =	wrdreg s0  }
0xb: {  	s24 =	sor.u32 s23, s21;
	s0 =	sadd.s32 s1, s22;
	[dreg:$0x1b] =	wrdreg s31  }
0xc: {  	s25 =	sadd.s32 $0xC10, s3;
	s11 =	sadd.s32 s8, s24;
	[dreg:$0xa] =	wrdreg s0  }
0xd: {  	s26 =	sadd.s32 $0xC20, s3;
	s12 =	sadd.s32 s24, s25;
	[dreg:$0xb] =	wrdreg s11  }
0xe: {  	s28 =	sadd.s32 $0xC30, s3;
	s13 =	sadd.s32 s24, s26;
	[dreg:$0xc] =	wrdreg s12  }
0xf: {  	s29 =	sadd.s32 $0xC40, s3;
	s14 =	sadd.s32 s24, s28;
	[dreg:$0xd] =	wrdreg s13  }
0x10: {  	s30 =	sadd.s32 $0xC50, s3;
	s15 =	sadd.s32 s24, s29;
	[dreg:$0xe] =	wrdreg s14  }
0x11: {  	s10 =	sadd.s32 $0xC60, s3;
	s16 =	sadd.s32 s24, s30;
	[dreg:$0xf] =	wrdreg s15  }
0x12: {  	s3 =	sadd.s32 $0xC70, s3;
	s17 =	sadd.s32 s24, s10;
	[dreg:$0x10] =	wrdreg s16  }
0x13: {  	s18 =	sadd.s32 s24, s3;
	s0 =	sor.u32 $0x1000, s24;
	[dreg:$0x11] =	wrdreg s17  }
0x14: {  	[dreg:$0x12] =	wrdreg s18;
	s8 =	sadd.s32 s8, s0  }
0x15: {  	s19 =	sadd.s32 s0, s25;
	[dreg:$0x13] =	wrdreg s8  }
0x16: {  	s20 =	sadd.s32 s0, s26;
	[dreg:$0x14] =	wrdreg s19  }
0x17: {  	s6 =	sadd.s32 s0, s28;
	[dreg:$0x15] =	wrdreg s20  }
0x18: {  	s7 =	sadd.s32 s0, s29;
	[dreg:$0x16] =	wrdreg s6  }
0x19: {  	s9 =	sadd.s32 s0, s30;
	[dreg:$0x17] =	wrdreg s7  }
0x1a: {  	s10 =	sadd.s32 s0, s10;
	[dreg:$0x18] =	wrdreg s9  }
0x1b: {  	s21 =	sadd.s32 s0, s3;
	[dreg:$0x19] =	wrdreg s10  }
0x1c: {  	s1 =	simm.s32 $0x0;
	s3 =	simm.s32 $0x1;
	[dreg:$0x1a] =	wrdreg s21  }
.LBB2_1:
0x1d: {  	[dreg:$0x1c] =	wrdreg s1  }
0x1e: {  	s0 =	rddreg [dreg:$0x9]  }
0x1f: {  	[tilespmem:s2], [sflag:$0x1] =	stream.linear.gather [hbm4b:s0+s2], $0x4000, $0x38;
	[tilespmem:$0x15000] =	vst v63  }
0x20: {  	s16 =	simm.s32 $0x4000;
	s17 =	rddreg [dreg:$0xa]  }
0x21: {  	[tilespmem:s16], [sflag:$0x2] =	stream.linear.gather [hbm4b:s17+s2], $0x1000, $0x38;
	[tilespmem:$0x15000] =	vst v63  }
0x22: {  	_ =	swait.ge [sflag:s3], $0x4000  }
0x23: {  	[sflag:s3] =	ssyncset.done $0x0  }
0x24: {  	s5 =	simm.s32 $0x2;
	[sflag:s3] =	ssyncadd.s32 $0xFFFFC000  }
0x25: {  	s4 =	sand.u32 $0x40, s2;
	s18 =	sand.u32 $0xF80, s2;
	_ =	swait.ge [sflag:s5], $0x1000  }
0x26: {  	s1 =	sor.u32 $0x4000, s18;
	s3 =	sor.u32 $0x30, s4;
	[sflag:s5] =	ssyncset.done $0x0  }
0x27: {  	s19 =	sor.u32 s3, s1;
	[sflag:s5] =	ssyncadd.s32 $0xFFFFF000  }
0x28: {  	v0 =	vld [tilespmem:s19+$0x0]  }
0x29: {  	s23 =	sor.u32 $0x10, s4;
	v1 =	vld [tilespmem:s16+$0x0]  }
0x2a: {  	s21 =	sor.u32 $0x20, s4;
	s20 =	sor.u32 s23, s1  }
0x2b: {  	s1 =	sor.u32 s21, s1;
	v2 =	vld [tilespmem:s20+$0x0]  }
0x2c: {  	v3 =	vld [tilespmem:s1+$0x0];
	_ =	sdelay $0x1  }
0x2d: {  	v4 =	vshll.u32 v0, $0x3;
	v5 =	vshll.u32 v1, $0x3;
	v0 =	vand.u32 $0x7F, v0  }
0x2e: {  	v1 =	vand.u32 $0x7F, v1;
	v4 =	vand.u32 $0xFFFFFC00, v4;
	v6 =	vand.u32 $0xFFFFFC00, v5  }
0x2f: {  	v5 =	vor.u32 v0, v4;
	v0 =	vor.u32 v1, v6;
	v1 =	vshll.u32 v2, $0x3  }
0x30: {  	v4 =	vshll.u32 v3, $0x3;
	v2 =	vand.u32 $0x7F, v2;
	v1 =	vand.u32 $0xFFFFFC00, v1  }
0x31: {  	v6 =	vand.u32 $0xFFFFFC00, v4;
	v4 =	vor.u32 v2, v1;
	_ =	sdelay $0x1  }
0x32: {  	v3 =	vand.u32 $0x7F, v3  }
0x33: {  	v3 =	vor.u32 v3, v6;
	v1 =	vld.idx.msk [tilespmem:v5+s2+$0x0], $0xffff  }
0x34: {  	v2 =	vor.u32 $0x80, v5;
	v6 =	vld.idx.msk [tilespmem:v0+s2+$0x0], $0xffff  }
0x35: {  	s24 =	sand.u32 $0x7C00, s2;
	v7 =	vor.u32 $0x80, v0;
	v8 =	vld.idx.msk [tilespmem:v4+s2+$0x0], $0xffff  }
0x36: {  	s22 =	sadd.s32 $0x5000, s24;
	v9 =	vor.u32 $0x80, v4  }
0x37: {  	s25 =	sor.u32 s3, s22  }
0x38: {  	s26 =	sor.u32 s4, s22;
	v10 =	vld.idx.msk [tilespmem:v3+s2+$0x0], $0xffff;
	[tilespmem:s25+$0x0] =	vst v1  }
0x39: {  	s6 =	sor.u32 s23, s22;
	v11 =	vor.u32 $0x80, v3;
	[tilespmem:s26+$0x0] =	vst v6;
	v1 =	vld.idx.msk [tilespmem:v2+s2+$0x0], $0xffff  }
0x3a: {  	v2 =	vor.u32 $0x100, v5;
	v6 =	vld.idx.msk [tilespmem:v7+s2+$0x0], $0xffff;
	[tilespmem:s6+$0x0] =	vst v8  }
0x3b: {  	v7 =	vor.u32 $0x100, v0;
	v8 =	vld.idx.msk [tilespmem:v9+s2+$0x0], $0xffff  }
0x3c: {  	s7 =	sor.u32 s21, s22;
	v9 =	vor.u32 $0x100, v4  }
0x3d: {  	[tilespmem:s7+$0x0] =	vst v10  }
0x3e: {  	v10 =	vld.idx.msk [tilespmem:v11+s2+$0x0], $0xffff;
	[tilespmem:s25+$0x80] =	vst v1  }
0x3f: {  	v11 =	vor.u32 $0x100, v3;
	[tilespmem:s26+$0x80] =	vst v6;
	v1 =	vld.idx.msk [tilespmem:v2+s2+$0x0], $0xffff  }
0x40: {  	v2 =	vor.u32 $0x180, v5;
	v6 =	vld.idx.msk [tilespmem:v7+s2+$0x0], $0xffff;
	[tilespmem:s6+$0x80] =	vst v8  }
0x41: {  	v7 =	vor.u32 $0x180, v0;
	v8 =	vld.idx.msk [tilespmem:v9+s2+$0x0], $0xffff  }
0x42: {  	v9 =	vor.u32 $0x180, v4  }
0x43: {  	[tilespmem:s7+$0x80] =	vst v10  }
0x44: {  	v10 =	vld.idx.msk [tilespmem:v11+s2+$0x0], $0xffff;
	[tilespmem:s25+$0x100] =	vst v1  }
0x45: {  	v11 =	vor.u32 $0x180, v3;
	[tilespmem:s26+$0x100] =	vst v6;
	v1 =	vld.idx.msk [tilespmem:v2+s2+$0x0], $0xffff  }
0x46: {  	v2 =	vor.u32 $0x200, v5;
	v6 =	vld.idx.msk [tilespmem:v7+s2+$0x0], $0xffff;
	[tilespmem:s6+$0x100] =	vst v8  }
0x47: {  	v7 =	vor.u32 $0x200, v0;
	v8 =	vld.idx.msk [tilespmem:v9+s2+$0x0], $0xffff  }
0x48: {  	v9 =	vor.u32 $0x200, v4  }
0x49: {  	[tilespmem:s7+$0x100] =	vst v10  }
0x4a: {  	p0 =	por $0x0, $0x0;
	s0 =	simm.s32 $0x1;
	v10 =	vld.idx.msk [tilespmem:v11+s2+$0x0], $0xffff;
	[tilespmem:s25+$0x180] =	vst v1  }
0x4b: {  	s0 =	simm.s32 @!p0 $0x0;
	v11 =	vor.u32 $0x200, v3;
	[tilespmem:s26+$0x180] =	vst v6;
	v1 =	vld.idx.msk [tilespmem:v2+s2+$0x0], $0xffff  }
0x4c: {  	s0 =	sshll.u32 s0, $0x6;
	v2 =	vor.u32 $0x280, v5;
	v6 =	vld.idx.msk [tilespmem:v7+s2+$0x0], $0xffff;
	[tilespmem:s6+$0x180] =	vst v8  }
0x4d: {  	s0 =	sadd.s32 $0x0, s0;
	v7 =	vor.u32 $0x280, v0;
	v8 =	vld.idx.msk [tilespmem:v9+s2+$0x0], $0xffff  }
0x4e: {  	s28 =	sadd.s32 $0x30, s0;
	v9 =	vor.u32 $0x280, v4  }
0x4f: {  	s9 =	sor.u32 $0x200, s28;
	[tilespmem:s7+$0x180] =	vst v10  }
0x50: {  	s10 =	sor.u32 $0x200, s0;
	s6 =	sadd.s32 $0x10, s0;
	v10 =	vld.idx.msk [tilespmem:v11+s2+$0x0], $0xffff;
	[tilespmem:s9+$0x5000] =	vst v1  }
0x51: {  	v11 =	vor.u32 $0x280, v3;
	s8 =	sor.u32 $0x200, s6;
	[tilespmem:s10+$0x5000] =	vst v6;
	v1 =	vld.idx.msk [tilespmem:v2+s2+$0x0], $0xffff  }
0x52: {  	v2 =	vor.u32 $0x300, v5;
	v6 =	vld.idx.msk [tilespmem:v7+s2+$0x0], $0xffff;
	[tilespmem:s8+$0x5000] =	vst v8  }
0x53: {  	s1 =	sadd.s32 $0x20, s0;
	v7 =	vor.u32 $0x300, v0;
	v8 =	vld.idx.msk [tilespmem:v9+s2+$0x0], $0xffff  }
0x54: {  	s11 =	sor.u32 $0x200, s1;
	v9 =	vor.u32 $0x300, v4  }
0x55: {  	s12 =	sor.u32 $0x280, s28;
	[tilespmem:s11+$0x5000] =	vst v10  }
0x56: {  	s13 =	sor.u32 $0x280, s0;
	v10 =	vld.idx.msk [tilespmem:v11+s2+$0x0], $0xffff;
	[tilespmem:s12+$0x5000] =	vst v1  }
0x57: {  	s14 =	sor.u32 $0x280, s6;
	v11 =	vor.u32 $0x300, v3;
	[tilespmem:s13+$0x5000] =	vst v6;
	v1 =	vld.idx.msk [tilespmem:v2+s2+$0x0], $0xffff  }
0x58: {  	v2 =	vor.u32 $0x380, v5;
	v6 =	vld.idx.msk [tilespmem:v7+s2+$0x0], $0xffff;
	[tilespmem:s14+$0x5000] =	vst v8  }
0x59: {  	v8 =	vld.idx.msk [tilespmem:v9+s2+$0x0], $0xffff  }
0x5a: {  	s15 =	sor.u32 $0x280, s1;
	v7 =	vor.u32 $0x380, v0  }
0x5b: {  	s16 =	sor.u32 $0x300, s28;
	[tilespmem:s15+$0x5000] =	vst v10;
	v9 =	vor.u32 $0x380, v4  }
0x5c: {  	s17 =	sor.u32 $0x300, s0;
	v10 =	vld.idx.msk [tilespmem:v11+s2+$0x0], $0xffff;
	[tilespmem:s16+$0x5000] =	vst v1  }
0x5d: {  	s18 =	simm.s32 $0x4040;
	s9 =	sor.u32 $0x300, s6;
	s10 =	simm.s32 $0x40;
	v11 =	vor.u32 $0x380, v3;
	[tilespmem:s17+$0x5000] =	vst v6;
	v1 =	vld.idx.msk [tilespmem:v2+s2+$0x0], $0xffff  }
0x5e: {  	s20 =	simm.s32 $0x40;
	s25 =	sand.u32 $0x40, s10;
	s22 =	sand.u32 $0xF80, s10;
	v2 =	vld [tilespmem:s18+$0x0];
	[tilespmem:s9+$0x5000] =	vst v8  }
0x5f: {  	s26 =	sor.u32 $0x4000, s22;
	s31 =	sor.u32 $0x30, s25;
	v7 =	vld.idx.msk [tilespmem:v7+s2+$0x0], $0xffff;
	[dreg:$0x6] =	wrdreg s20  }
0x60: {  	s19 =	sor.u32 $0x300, s1;
	s8 =	sor.u32 s31, s26;
	v6 =	vadd.s32 $0x2000, v5;
	v8 =	vld.idx.msk [tilespmem:v9+s2+$0x0], $0xffff  }
0x61: {  	s11 =	sor.u32 $0x10, s25;
	[tilespmem:s19+$0x5000] =	vst v10;
	v9 =	vadd.s32 $0x2000, v4;
	v12 =	vld [tilespmem:s8+$0x0]  }
0x62: {  	s5 =	sor.u32 $0x380, s28;
	v13 =	vadd.s32 $0x2000, v0;
	s28 =	sor.u32 s11, s26;
	s12 =	sor.u32 $0x20, s25;
	v10 =	vld.idx.msk [tilespmem:v11+s2+$0x0], $0xffff  }
0x63: {  	s7 =	sor.u32 s12, s26;
	v14 =	vld [tilespmem:s28+$0x0];
	v11 =	vadd.s32 $0x2000, v3;
	[tilespmem:s5+$0x5000] =	vst v1;
	v1 =	vshll.u32 v2, $0x3  }
0x64: {  	s6 =	sor.u32 $0x380, s6;
	v15 =	vld [tilespmem:s7+$0x0];
	v2 =	vand.u32 $0x7F, v2;
	v1 =	vand.u32 $0xFFFFFC00, v1  }
0x65: {  	s0 =	sor.u32 $0x380, s0;
	v6 =	vld.idx.msk [tilespmem:v6+s2+$0x0], $0xffff;
	v1 =	vor.u32 v2, v1;
	[tilespmem:s6+$0x5000] =	vst v8  }
0x66: {  	s1 =	sor.u32 $0x380, s1;
	[tilespmem:s0+$0x5000] =	vst v7;
	v8 =	vadd.s32 $0x2080, v5;
	v2 =	vshll.u32 v12, $0x3;
	v9 =	vld.idx.msk [tilespmem:v9+s2+$0x0], $0xffff  }
0x67: {  	v7 =	vand.u32 $0x7F, v12;
	v12 =	vld.idx.msk [tilespmem:v13+s2+$0x0], $0xffff;
	[tilespmem:s1+$0x5000] =	vst v10;
	v10 =	vadd.s32 $0x2080, v4;
	v2 =	vand.u32 $0xFFFFFC00, v2  }
0x68: {  	s8 =	sadd.s32 $0xD000, s24;
	v11 =	vld.idx.msk [tilespmem:v11+s2+$0x0], $0xffff;
	v2 =	vor.u32 v7, v2  }
0x69: {  	v16 =	vadd.s32 $0x2080, v3;
	s9 =	sor.u32 s3, s8;
	v13 =	vshll.u32 v14, $0x3  }
0x6a: {  	s10 =	sor.u32 s23, s8;
	v14 =	vand.u32 $0x7F, v14;
	v7 =	vand.u32 $0xFFFFFC00, v13;
	[tilespmem:s9+$0x0] =	vst v6;
	v6 =	vadd.s32 $0x2080, v0;
	v17 =	vld.idx.msk [tilespmem:v1+s2+$0x0], $0xffff  }
0x6b: {  	s14 =	sor.u32 s4, s8;
	v18 =	vand.u32 $0x7F, v15;
	v13 =	vshll.u32 v15, $0x3;
	v15 =	vor.u32 v14, v7;
	v8 =	vld.idx.msk [tilespmem:v8+s2+$0x0], $0xffff;
	[tilespmem:s10+$0x0] =	vst v9  }
0x6c: {  	s13 =	sor.u32 s21, s8;
	v13 =	vand.u32 $0xFFFFFC00, v13;
	[tilespmem:s14+$0x0] =	vst v12;
	v9 =	vadd.s32 $0x2100, v5;
	v7 =	vld.idx.msk [tilespmem:v10+s2+$0x0], $0xffff  }
0x6d: {  	s0 =	simm.s32 $0x200;
	v28 =	vor.u32 v18, v13;
	[tilespmem:s13+$0x0] =	vst v11;
	v12 =	vld.idx.msk [tilespmem:v2+s2+$0x0], $0xffff  }
0x6e: {  	s15 =	sadd.s32 $0xD080, s24;
	s30 =	sand.u32 $0x7C00, s0;
	v11 =	vadd.s32 $0x2100, v4;
	v10 =	vld.idx.msk [tilespmem:v16+s2+$0x0], $0xffff  }
0x6f: {  	s17 =	sor.u32 s3, s15;
	s20 =	sadd.s32 $0x5000, s30;
	v13 =	vadd.s32 $0x2100, v3;
	v6 =	vld.idx.msk [tilespmem:v6+s2+$0x0], $0xffff  }
0x70: {  	s5 =	sor.u32 s25, s20;
	v16 =	vld.idx.msk [tilespmem:v15+s2+$0x0], $0xffff;
	[tilespmem:s17+$0x0] =	vst v8;
	v8 =	vor.u32 $0x80, v2  }
0x71: {  	s18 =	sor.u32 s23, s15;
	[tilespmem:s5+$0x0] =	vst v17;
	v9 =	vld.idx.msk [tilespmem:v9+s2+$0x0], $0xffff  }
0x72: {  	s19 =	sor.u32 s21, s15;
	v14 =	vor.u32 $0x80, v1;
	v18 =	vld.idx.msk [tilespmem:v28+s2+$0x0], $0xffff;
	[tilespmem:s18+$0x0] =	vst v7  }
0x73: {  	s22 =	sor.u32 s31, s20;
	v7 =	vadd.s32 $0x2180, v5;
	v11 =	vld.idx.msk [tilespmem:v11+s2+$0x0], $0xffff;
	[tilespmem:s19+$0x0] =	vst v10  }
0x74: {  	s16 =	sadd.s32 $0xD100, s24;
	v19 =	vor.u32 $0x80, v15;
	[tilespmem:s22+$0x0] =	vst v12;
	v12 =	vld.idx.msk [tilespmem:v13+s2+$0x0], $0xffff  }
0x75: {  	s17 =	sor.u32 s3, s16;
	v10 =	vor.u32 $0x80, v28;
	v8 =	vld.idx.msk [tilespmem:v8+s2+$0x0], $0xffff;
	[dreg:$0x4] =	wrdreg s11  }
0x76: {  	v13 =	vadd.s32 $0x2100, v0;
	[tilespmem:s17+$0x0] =	vst v9  }
0x77: {  	v17 =	vadd.s32 $0x2180, v4;
	s18 =	sor.u32 s11, s20;
	v14 =	vld.idx.msk [tilespmem:v14+s2+$0x0], $0xffff;
	[dreg:$0x5] =	wrdreg s12  }
0x78: {  	s19 =	sor.u32 s12, s20;
	v9 =	vor.u32 $0x100, v2;
	[tilespmem:s18+$0x0] =	vst v16;
	v7 =	vld.idx.msk [tilespmem:v7+s2+$0x0], $0xffff  }
0x79: {  	s8 =	sor.u32 s4, s15;
	v16 =	vor.u32 $0x100, v1;
	[tilespmem:s19+$0x0] =	vst v18;
	v19 =	vld.idx.msk [tilespmem:v19+s2+$0x0], $0xffff  }
0x7a: {  	s26 =	sor.u32 s23, s16;
	[tilespmem:s8+$0x0] =	vst v6;
	v6 =	vadd.s32 $0x2200, v5;
	v10 =	vld.idx.msk [tilespmem:v10+s2+$0x0], $0xffff  }
0x7b: {  	v18 =	vor.u32 $0x100, v15;
	[tilespmem:s26+$0x0] =	vst v11;
	v13 =	vld.idx.msk [tilespmem:v13+s2+$0x0], $0xffff  }
0x7c: {  	s28 =	sadd.s32 $0xD180, s24;
	v11 =	vor.u32 $0x100, v28;
	[tilespmem:s22+$0x80] =	vst v8;
	v8 =	vld.idx.msk [tilespmem:v17+s2+$0x0], $0xffff  }
0x7d: {  	s11 =	sor.u32 s3, s28;
	v17 =	vadd.s32 $0x2180, v3;
	[tilespmem:s5+$0x80] =	vst v14;
	v9 =	vld.idx.msk [tilespmem:v9+s2+$0x0], $0xffff  }
0x7e: {  	v14 =	vld.idx.msk [tilespmem:v16+s2+$0x0], $0xffff;
	v16 =	vadd.s32 $0x2180, v0;
	[tilespmem:s11+$0x0] =	vst v7  }
0x7f: {  	v7 =	vor.u32 $0x180, v2;
	[tilespmem:s18+$0x80] =	vst v19;
	v6 =	vld.idx.msk [tilespmem:v6+s2+$0x0], $0xffff  }
0x80: {  	s12 =	sor.u32 s21, s16;
	v19 =	vor.u32 $0x180, v1;
	[tilespmem:s19+$0x80] =	vst v10;
	v18 =	vld.idx.msk [tilespmem:v18+s2+$0x0], $0xffff  }
0x81: {  	s10 =	sor.u32 s4, s16;
	[tilespmem:s12+$0x0] =	vst v12;
	v10 =	vld.idx.msk [tilespmem:v11+s2+$0x0], $0xffff;
	v11 =	vadd.s32 $0x2280, v5  }
0x82: {  	v12 =	vor.u32 $0x180, v15;
	[tilespmem:s10+$0x0] =	vst v13;
	v13 =	vld.idx.msk [tilespmem:v17+s2+$0x0], $0xffff  }
0x83: {  	s13 =	sadd.s32 $0xD200, s24;
	v17 =	vor.u32 $0x180, v28;
	[tilespmem:s22+$0x100] =	vst v9;
	v9 =	vld.idx.msk [tilespmem:v16+s2+$0x0], $0xffff  }
0x84: {  	s14 =	sor.u32 s3, s13;
	v16 =	vadd.s32 $0x2200, v4;
	[tilespmem:s5+$0x100] =	vst v14;
	v7 =	vld.idx.msk [tilespmem:v7+s2+$0x0], $0xffff  }
0x85: {  	v14 =	vadd.s32 $0x2200, v3;
	v19 =	vld.idx.msk [tilespmem:v19+s2+$0x0], $0xffff;
	[tilespmem:s14+$0x0] =	vst v6  }
0x86: {  	v6 =	vor.u32 $0x200, v2;
	[tilespmem:s18+$0x100] =	vst v18;
	v11 =	vld.idx.msk [tilespmem:v11+s2+$0x0], $0xffff  }
0x87: {  	s15 =	sor.u32 s23, s28;
	v18 =	vor.u32 $0x200, v1;
	[tilespmem:s19+$0x100] =	vst v10;
	v12 =	vld.idx.msk [tilespmem:v12+s2+$0x0], $0xffff  }
0x88: {  	s16 =	sor.u32 s21, s28;
	[tilespmem:s15+$0x0] =	vst v8;
	v8 =	vadd.s32 $0x2300, v5;
	v10 =	vld.idx.msk [tilespmem:v17+s2+$0x0], $0xffff  }
0x89: {  	[tilespmem:s16+$0x0] =	vst v13;
	v17 =	vor.u32 $0x200, v15;
	v16 =	vld.idx.msk [tilespmem:v16+s2+$0x0], $0xffff  }
0x8a: {  	s17 =	sadd.s32 $0xD280, s24;
	v13 =	vor.u32 $0x200, v28;
	[tilespmem:s22+$0x180] =	vst v7;
	v7 =	vld.idx.msk [tilespmem:v14+s2+$0x0], $0xffff  }
0x8b: {  	s20 =	sor.u32 s3, s17;
	v14 =	vadd.s32 $0x2200, v0;
	[tilespmem:s5+$0x180] =	vst v19;
	v6 =	vld.idx.msk [tilespmem:v6+s2+$0x0], $0xffff  }
0x8c: {  	p0 =	por !p0, !p0;
	s7 =	simm.s32 $0x1;
	v19 =	vadd.s32 $0x2280, v4;
	v18 =	vld.idx.msk [tilespmem:v18+s2+$0x0], $0xffff;
	[tilespmem:s20+$0x0] =	vst v11  }
0x8d: {  	v22 =	vadd.s32 $0x2280, v3;
	s7 =	simm.s32 @!p0 $0x0;
	[tilespmem:s18+$0x180] =	vst v12;
	v8 =	vld.idx.msk [tilespmem:v8+s2+$0x0], $0xffff  }
0x8e: {  	s26 =	sor.u32 s4, s28;
	s22 =	sshll.u32 s7, $0x6;
	v11 =	vor.u32 $0x280, v2;
	[tilespmem:s19+$0x180] =	vst v10;
	v17 =	vld.idx.msk [tilespmem:v17+s2+$0x0], $0xffff  }
0x8f: {  	s1 =	simm.s32 $0x4;
	s28 =	sor.u32 s23, s13;
	[tilespmem:s26+$0x0] =	vst v9;
	s14 =	sadd.s32 $0x200, s22;
	v12 =	vor.u32 $0x280, v1;
	v10 =	vld.idx.msk [tilespmem:v13+s2+$0x0], $0xffff  }
0x90: {  	s6 =	sor.u32 s21, s13;
	s9 =	sor.u32 s21, s17;
	v9 =	vadd.s32 $0x2380, v5;
	s12 =	sadd.s32 $0x30, s14;
	v14 =	vld.idx.msk [tilespmem:v14+s2+$0x0], $0xffff;
	[tilespmem:s28+$0x0] =	vst v16  }
0x91: {  	v30 =	vadd.s32 $0x2280, v0;
	s10 =	sor.u32 s23, s17;
	s15 =	sadd.s32 $0xD300, s24;
	s5 =	sor.u32 $0x200, s12;
	v13 =	vor.u32 $0x280, v15;
	[tilespmem:s6+$0x0] =	vst v7;
	v27 =	vld.idx.msk [tilespmem:v19+s2+$0x0], $0xffff  }
0x92: {  	v36 =	vor.u32 $0x300, v1;
	v34 =	vor.u32 $0x300, v2;
	v21 =	vor.u32 $0x280, v28;
	s24 =	sadd.s32 $0xD380, s24;
	s11 =	sor.u32 s21, s15;
	s18 =	sor.u32 $0x200, s14;
	[tilespmem:s5+$0x5000] =	vst v6;
	v29 =	vld.idx.msk [tilespmem:v22+s2+$0x0], $0xffff  }
0x93: {  	v25 =	vor.u32 $0x300, v15;
	v24 =	vor.u32 $0x380, v15;
	v26 =	vor.u32 $0x300, v28;
	s8 =	sor.u32 s23, s24;
	s16 =	sadd.s32 $0x10, s14;
	s20 =	sor.u32 s3, s15;
	[tilespmem:s18+$0x5000] =	vst v18;
	v18 =	vld.idx.msk [tilespmem:v11+s2+$0x0], $0xffff  }
0x94: {  	v23 =	vor.u32 $0x380, v28;
	v20 =	vadd.s32 $0x2000, v28;
	v5 =	vadd.s32 $0x2300, v4;
	s19 =	sor.u32 s4, s13;
	s13 =	sor.u32 $0x200, s16;
	s28 =	sadd.s32 $0x20, s14;
	v32 =	vld.idx.msk [tilespmem:v12+s2+$0x0], $0xffff;
	[tilespmem:s20+$0x0] =	vst v8  }
0x95: {  	s29 =	sor.u32 s21, s24;
	s7 =	sor.u32 s4, s15;
	v4 =	vadd.s32 $0x2380, v4;
	v16 =	vadd.s32 $0x2080, v15;
	v7 =	vadd.s32 $0x2280, v15;
	s22 =	sor.u32 $0x200, s28;
	[tilespmem:s13+$0x5000] =	vst v17;
	v35 =	vld.idx.msk [tilespmem:v9+s2+$0x0], $0xffff  }
0x96: {  	s3 =	sor.u32 s3, s24;
	s26 =	sor.u32 $0x280, s12;
	v6 =	vadd.s32 $0x2300, v3;
	s5 =	sor.u32 s4, s17;
	v3 =	vadd.s32 $0x2380, v3;
	v19 =	vadd.s32 $0x2000, v15;
	[tilespmem:s22+$0x5000] =	vst v10;
	v31 =	vld.idx.msk [tilespmem:v13+s2+$0x0], $0xffff  }
0x97: {  	s17 =	sor.u32 $0x280, s16;
	v22 =	vadd.s32 $0x2300, v28;
	s18 =	sor.u32 $0x280, s14;
	v11 =	vadd.s32 $0x2180, v15;
	s20 =	sor.u32 $0x280, s28;
	v12 =	vadd.s32 $0x2180, v28;
	v33 =	vld.idx.msk [tilespmem:v21+s2+$0x0], $0xffff;
	[tilespmem:s19+$0x0] =	vst v14  }
0x98: {  	v8 =	vadd.s32 $0x2280, v28;
	s13 =	sor.u32 s23, s15;
	v17 =	vadd.s32 $0x2080, v28;
	s22 =	sor.u32 s4, s24;
	v9 =	vadd.s32 $0x2200, v15;
	s15 =	sor.u32 $0x380, s14;
	v30 =	vld.idx.msk [tilespmem:v30+s2+$0x0], $0xffff;
	[tilespmem:s26+$0x5000] =	vst v18  }
0x99: {  	v10 =	vadd.s32 $0x2200, v28;
	v13 =	vadd.s32 $0x2100, v15;
	v14 =	vadd.s32 $0x2100, v28;
	s19 =	sor.u32 $0x300, s14;
	s14 =	sor.u32 $0x380, s28;
	s26 =	sor.u32 $0x300, s16;
	[tilespmem:s18+$0x5000] =	vst v32;
	v32 =	vld.idx.msk [tilespmem:v34+s2+$0x0], $0xffff  }
0x9a: {  	v21 =	vadd.s32 $0x2300, v15;
	v18 =	vadd.s32 $0x2380, v15;
	v15 =	vadd.s32 $0x2380, v28;
	s16 =	sor.u32 $0x380, s16;
	s18 =	sor.u32 $0x300, s28;
	[tilespmem:s3+$0x0] =	vst v35;
	v28 =	vld.idx.msk [tilespmem:v36+s2+$0x0], $0xffff;
	s3 =	simm.s32 $0x4080  }
.LBB2_2:
0x9b: {  	v35 =	vor.u32 $0x380, v1;
	_ =	sdelay $0x1  }
0x9c: {  	v34 =	vld [tilespmem:s3+$0x0];
	[tilespmem:s20+$0x5000] =	vst v33  }
0x9d: {  	v56 =	vadd.s32 $0x2300, v0;
	v26 =	vld.idx.msk [tilespmem:v26+s2+$0x0], $0xffff;
	[tilespmem:s17+$0x5000] =	vst v31  }
0x9e: {  	v31 =	vor.u32 $0x380, v2;
	[tilespmem:s19+$0x5000] =	vst v28;
	v25 =	vld.idx.msk [tilespmem:v25+s2+$0x0], $0xffff  }
0x9f: {  	s4 =	rddreg [dreg:$0x4];
	[tilespmem:s10+$0x0] =	vst v27;
	v28 =	vld.idx.msk [tilespmem:v35+s2+$0x0], $0xffff  }
0xa0: {  	s6 =	rddreg [dreg:$0x5];
	[tilespmem:s9+$0x0] =	vst v29;
	v27 =	vld.idx.msk [tilespmem:v5+s2+$0x0], $0xffff  }
0xa1: {  	s23 =	smov.u32 s4;
	s4 =	smov.u32 s6;
	s6 =	sor.u32 $0x300, s12;
	[tilespmem:s5+$0x0] =	vst v30;
	v5 =	vmov v21;
	v21 =	vld.idx.msk [tilespmem:v6+s2+$0x0], $0xffff  }
0xa2: {  	[tilespmem:s6+$0x5000] =	vst v32;
	s17 =	rddreg [dreg:$0x6];
	v29 =	vld.idx.msk [tilespmem:v56+s2+$0x0], $0xffff  }
0xa3: {  	s5 =	sadd.s32 $0x40, s17;
	v6 =	vmov v22;
	[tilespmem:s18+$0x5000] =	vst v26;
	v22 =	vld.idx.msk [tilespmem:v31+s2+$0x0], $0xffff  }
0xa4: {  	s28 =	sor.u32 $0x380, s12;
	s24 =	sand.u32 $0x40, s5;
	s19 =	sand.u32 $0xF80, s5;
	v23 =	vld.idx.msk [tilespmem:v23+s2+$0x0], $0xffff;
	[tilespmem:s26+$0x5000] =	vst v25;
	v25 =	vadd.s32 $0x2000, v2  }
0xa5: {  	[dreg:$0x6] =	wrdreg s5;
	s6 =	sor.u32 $0x4000, s19;
	s20 =	sor.u32 $0x30, s24;
	v24 =	vld.idx.msk [tilespmem:v24+s2+$0x0], $0xffff;
	[tilespmem:s13+$0x0] =	vst v27  }
0xa6: {  	s5 =	sor.u32 $0x10, s24;
	s12 =	sor.u32 $0x20, s24;
	s26 =	sor.u32 s20, s6;
	[tilespmem:s15+$0x5000] =	vst v28;
	v26 =	vld.idx.msk [tilespmem:v4+s2+$0x0], $0xffff  }
0xa7: {  	[tilespmem:s11+$0x0] =	vst v21;
	s11 =	sor.u32 s5, s6;
	s6 =	sor.u32 s12, s6;
	v4 =	vmov v18;
	v18 =	vld [tilespmem:s26+$0x0]  }
0xa8: {  	v21 =	vadd.s32 $0x2000, v1;
	v28 =	vld [tilespmem:s6+$0x0];
	[tilespmem:s28+$0x5000] =	vst v22  }
0xa9: {  	[tilespmem:s14+$0x5000] =	vst v23;
	v23 =	vadd.s32 $0x2380, v0;
	v22 =	vld.idx.msk [tilespmem:v25+s2+$0x0], $0xffff  }
0xaa: {  	[tilespmem:s7+$0x0] =	vst v29;
	v27 =	vshll.u32 v34, $0x3;
	v25 =	vld [tilespmem:s11+$0x0]  }
0xab: {  	v29 =	vand.u32 $0x7F, v34;
	v27 =	vand.u32 $0xFFFFFC00, v27;
	v20 =	vld.idx.msk [tilespmem:v20+s2+$0x0], $0xffff;
	[tilespmem:s16+$0x5000] =	vst v24;
	v24 =	vadd.s32 $0x2080, v2  }
0xac: {  	v0 =	vmov v1;
	v1 =	vor.u32 v29, v27;
	v19 =	vld.idx.msk [tilespmem:v19+s2+$0x0], $0xffff  }
0xad: {  	s21 =	smov.u32 s31;
	s15 =	sadd.s32 $0xD000, s30;
	v21 =	vld.idx.msk [tilespmem:v21+s2+$0x0], $0xffff  }
0xae: {  	s18 =	sor.u32 s21, s15;
	v57 =	vadd.s32 $0x2080, v0;
	[tilespmem:s8+$0x0] =	vst v26;
	v26 =	vshll.u32 v18, $0x3;
	v58 =	vld.idx.msk [tilespmem:v23+s2+$0x0], $0xffff  }
0xaf: {  	s6 =	sor.u32 s4, s15;
	v18 =	vand.u32 $0x7F, v18;
	v26 =	vand.u32 $0xFFFFFC00, v26;
	v27 =	vshll.u32 v25, $0x3;
	[tilespmem:s18+$0x0] =	vst v22;
	v22 =	vld.idx.msk [tilespmem:v3+s2+$0x0], $0xffff  }
0xb0: {  	s17 =	sor.u32 s23, s15;
	v3 =	vmov v15;
	[tilespmem:s6+$0x0] =	vst v20;
	v15 =	vand.u32 $0xFFFFFC00, v27;
	v27 =	vor.u32 v18, v26;
	v18 =	vld.idx.msk [tilespmem:v24+s2+$0x0], $0xffff  }
0xb1: {  	s16 =	sor.u32 s25, s15;
	v29 =	vshll.u32 v28, $0x3;
	v38 =	vld.idx.msk [tilespmem:v1+s2+$0x0], $0xffff;
	v24 =	vand.u32 $0x7F, v25;
	[tilespmem:s17+$0x0] =	vst v19;
	v19 =	vadd.s32 $0x2100, v2  }
0xb2: {  	s0 =	sadd.s32 $0x200, s0;
	v25 =	vand.u32 $0x7F, v28;
	v26 =	vand.u32 $0xFFFFFC00, v29;
	[tilespmem:s16+$0x0] =	vst v21;
	v21 =	vld.idx.msk [tilespmem:v17+s2+$0x0], $0xffff;
	v15 =	vor.u32 v24, v15  }
0xb3: {  	s19 =	sadd.s32 $0xD080, s30;
	s14 =	sand.u32 $0x7C00, s0;
	v39 =	vor.u32 v25, v26;
	v46 =	vld.idx.msk [tilespmem:v57+s2+$0x0], $0xffff  }
0xb4: {  	s26 =	sor.u32 s21, s19;
	v37 =	vor.u32 $0x80, v1;
	s15 =	sadd.s32 $0x5000, s14;
	v43 =	vld.idx.msk [tilespmem:v16+s2+$0x0], $0xffff;
	[tilespmem:s22+$0x0] =	vst v58  }
0xb5: {  	s6 =	sor.u32 s24, s15;
	v45 =	vld.idx.msk [tilespmem:v27+s2+$0x0], $0xffff;
	[tilespmem:s26+$0x0] =	vst v18  }
0xb6: {  	[tilespmem:s6+$0x0] =	vst v38;
	v47 =	vld.idx.msk [tilespmem:v19+s2+$0x0], $0xffff  }
0xb7: {  	s28 =	sor.u32 s4, s19;
	[tilespmem:s29+$0x0] =	vst v22;
	v18 =	vor.u32 $0x80, v27;
	v48 =	vld.idx.msk [tilespmem:v15+s2+$0x0], $0xffff  }
0xb8: {  	s10 =	sor.u32 s25, s19;
	v36 =	vadd.s32 $0x2100, v0;
	v49 =	vld.idx.msk [tilespmem:v39+s2+$0x0], $0xffff;
	[tilespmem:s28+$0x0] =	vst v21  }
0xb9: {  	v59 =	vadd.s32 $0x2180, v2;
	s13 =	smov.u32 s20;
	s20 =	sor.u32 s23, s19;
	v37 =	vld.idx.msk [tilespmem:v37+s2+$0x0], $0xffff;
	[tilespmem:s10+$0x0] =	vst v46  }
0xba: {  	s9 =	sor.u32 s13, s15;
	s16 =	sadd.s32 $0xD100, s30;
	v40 =	vor.u32 $0x80, v15;
	[tilespmem:s20+$0x0] =	vst v43;
	v61 =	vld.idx.msk [tilespmem:v14+s2+$0x0], $0xffff  }
0xbb: {  	s19 =	sor.u32 s21, s16;
	v42 =	vor.u32 $0x80, v39;
	v52 =	vld.idx.msk [tilespmem:v13+s2+$0x0], $0xffff;
	[tilespmem:s9+$0x0] =	vst v45  }
0xbc: {  	s7 =	sor.u32 s5, s15;
	v62 =	vld.idx.msk [tilespmem:v18+s2+$0x0], $0xffff;
	[tilespmem:s19+$0x0] =	vst v47  }
0xbd: {  	v36 =	vld.idx.msk [tilespmem:v36+s2+$0x0], $0xffff;
	[tilespmem:s7+$0x0] =	vst v48;
	v48 =	vor.u32 $0x100, v1  }
0xbe: {  	s8 =	sor.u32 s12, s15;
	v63 =	vor.u32 $0x100, v27;
	v43 =	vld.idx.msk [tilespmem:v59+s2+$0x0], $0xffff  }
0xbf: {  	s18 =	sor.u32 s23, s16;
	v57 =	vadd.s32 $0x2180, v0;
	[tilespmem:s8+$0x0] =	vst v49;
	v40 =	vld.idx.msk [tilespmem:v40+s2+$0x0], $0xffff  }
0xc0: {  	v49 =	vadd.s32 $0x2200, v2;
	v42 =	vld.idx.msk [tilespmem:v42+s2+$0x0], $0xffff;
	[tilespmem:s18+$0x0] =	vst v52  }
0xc1: {  	v41 =	vor.u32 $0x100, v15;
	[tilespmem:s6+$0x80] =	vst v37;
	v52 =	vld.idx.msk [tilespmem:v11+s2+$0x0], $0xffff  }
0xc2: {  	s17 =	sor.u32 s25, s16;
	v44 =	vor.u32 $0x100, v39;
	s22 =	sadd.s32 $0xD180, s30;
	[tilespmem:s9+$0x80] =	vst v62;
	v56 =	vld.idx.msk [tilespmem:v48+s2+$0x0], $0xffff  }
0xc3: {  	[dreg:$0x4] =	wrdreg s5;
	s5 =	sor.u32 s21, s22;
	[tilespmem:s17+$0x0] =	vst v36;
	v55 =	vld.idx.msk [tilespmem:v63+s2+$0x0], $0xffff  }
0xc4: {  	v59 =	vor.u32 $0x180, v1;
	[tilespmem:s5+$0x0] =	vst v43;
	v62 =	vld.idx.msk [tilespmem:v57+s2+$0x0], $0xffff  }
0xc5: {  	v60 =	vadd.s32 $0x2100, v39;
	v58 =	vor.u32 $0x180, v27;
	[tilespmem:s7+$0x80] =	vst v40;
	v43 =	vld.idx.msk [tilespmem:v49+s2+$0x0], $0xffff  }
0xc6: {  	v14 =	vmov v60;
	s20 =	sor.u32 s4, s16;
	v60 =	vadd.s32 $0x2280, v2;
	[tilespmem:s8+$0x80] =	vst v42;
	v41 =	vld.idx.msk [tilespmem:v41+s2+$0x0], $0xffff  }
0xc7: {  	v35 =	vor.u32 $0x180, v15;
	v42 =	vld.idx.msk [tilespmem:v44+s2+$0x0], $0xffff;
	[tilespmem:s20+$0x0] =	vst v61  }
0xc8: {  	s15 =	sadd.s32 $0xD200, s30;
	v34 =	vor.u32 $0x180, v39;
	v61 =	vld.idx.msk [tilespmem:v12+s2+$0x0], $0xffff;
	[tilespmem:s6+$0x100] =	vst v56  }
0xc9: {  	v31 =	vor.u32 $0x200, v15;
	v28 =	vor.u32 $0x280, v15;
	v30 =	vor.u32 $0x200, v39;
	s17 =	sor.u32 s21, s15;
	[tilespmem:s9+$0x100] =	vst v55;
	v48 =	vld.idx.msk [tilespmem:v59+s2+$0x0], $0xffff  }
0xca: {  	v25 =	vor.u32 $0x300, v15;
	v29 =	vor.u32 $0x280, v39;
	v50 =	vadd.s32 $0x2180, v15;
	v63 =	vld.idx.msk [tilespmem:v58+s2+$0x0], $0xffff;
	[tilespmem:s17+$0x0] =	vst v43  }
0xcb: {  	v26 =	vor.u32 $0x300, v39;
	v24 =	vor.u32 $0x380, v15;
	v11 =	vmovc v50;
	v50 =	vor.u32 $0x200, v1;
	[tilespmem:s7+$0x100] =	vst v41;
	v43 =	vld.idx.msk [tilespmem:v60+s2+$0x0], $0xffff  }
0xcc: {  	v23 =	vor.u32 $0x380, v39;
	v16 =	vadd.s32 $0x2080, v15;
	s26 =	sor.u32 s23, s22;
	v49 =	vor.u32 $0x200, v27;
	[tilespmem:s8+$0x100] =	vst v42;
	v35 =	vld.idx.msk [tilespmem:v35+s2+$0x0], $0xffff  }
0xcd: {  	v20 =	vadd.s32 $0x2000, v39;
	v51 =	vadd.s32 $0x2180, v39;
	s10 =	sor.u32 s4, s22;
	v55 =	vadd.s32 $0x2200, v0;
	v34 =	vld.idx.msk [tilespmem:v34+s2+$0x0], $0xffff;
	[tilespmem:s26+$0x0] =	vst v52  }
0xce: {  	v17 =	vadd.s32 $0x2080, v39;
	v53 =	vadd.s32 $0x2200, v15;
	v12 =	vmovc v51;
	v51 =	vadd.s32 $0x2300, v2;
	[tilespmem:s10+$0x0] =	vst v61;
	v52 =	vld.idx.msk [tilespmem:v9+s2+$0x0], $0xffff  }
0xcf: {  	s1 =	sadd.s32 $0x4, s1;
	v33 =	vadd.s32 $0x2280, v15;
	v54 =	vadd.s32 $0x2200, v39;
	v32 =	vadd.s32 $0x2280, v39;
	v36 =	vld.idx.msk [tilespmem:v10+s2+$0x0], $0xffff;
	[tilespmem:s6+$0x180] =	vst v48  }
0xd0: {  	p0 =	por !p0, !p0;
	s11 =	sor.u32 s25, s22;
	v22 =	vadd.s32 $0x2100, v15;
	v19 =	vadd.s32 $0x2000, v15;
	v21 =	vadd.s32 $0x2300, v15;
	s18 =	sadd.s32 $0xD280, s30;
	[tilespmem:s9+$0x180] =	vst v63;
	v56 =	vld.idx.msk [tilespmem:v50+s2+$0x0], $0xffff  }
0xd1: {  	[dreg:$0x7] =	wrdreg s14;
	s14 =	simm.s32 $0x1;
	v13 =	vmovc v22;
	v22 =	vadd.s32 $0x2300, v39;
	v18 =	vadd.s32 $0x2380, v15;
	v15 =	vadd.s32 $0x2380, v39;
	s19 =	sor.u32 s21, s18;
	[tilespmem:s11+$0x0] =	vst v62;
	v39 =	vld.idx.msk [tilespmem:v49+s2+$0x0], $0xffff  }
0xd2: {  	s31 =	sadd.s32 $0xD300, s30;
	s3 =	sadd.s32 $0x40, s3;
	s14 =	simm.s32 @!p0 $0x0;
	[tilespmem:s19+$0x0] =	vst v43;
	v37 =	vld.idx.msk [tilespmem:v55+s2+$0x0], $0xffff  }
0xd3: {  	p1 =	slt.u32 s1, $0xFC;
	[dreg:$0x5] =	wrdreg s12;
	s20 =	sshll.u32 s14, $0x6;
	v58 =	vor.u32 $0x280, v1;
	[tilespmem:s7+$0x180] =	vst v35;
	v38 =	vld.idx.msk [tilespmem:v51+s2+$0x0], $0xffff  }
0xd4: {  	[dreg:$0x8] =	wrdreg s13;
	s16 =	sor.u32 s23, s15;
	v57 =	vor.u32 $0x280, v27;
	s7 =	sadd.s32 s20, s0;
	[tilespmem:s8+$0x180] =	vst v34;
	v31 =	vld.idx.msk [tilespmem:v31+s2+$0x0], $0xffff  }
0xd5: {  	s13 =	sor.u32 s23, s31;
	v61 =	vadd.s32 $0x2280, v0;
	v30 =	vld.idx.msk [tilespmem:v30+s2+$0x0], $0xffff;
	s12 =	sadd.s32 $0x30, s7;
	[tilespmem:s16+$0x0] =	vst v52;
	s6 =	sor.u32 $0x200, s7  }
0xd6: {  	s22 =	sor.u32 s25, s15;
	s28 =	sor.u32 s4, s15;
	v59 =	vadd.s32 $0x2380, v2;
	s26 =	sor.u32 $0x200, s12;
	[tilespmem:s6+$0x5000] =	vst v56  }
0xd7: {  	s5 =	sor.u32 s25, s18;
	v2 =	vmov v27;
	s10 =	sor.u32 s23, s18;
	s9 =	sor.u32 s4, s18;
	v27 =	vld.idx.msk [tilespmem:v7+s2+$0x0], $0xffff;
	[tilespmem:s26+$0x5000] =	vst v39  }
0xd8: {  	s8 =	sadd.s32 $0x10, s7;
	s14 =	sadd.s32 $0x20, s7;
	s16 =	sor.u32 s21, s31;
	v60 =	vld.idx.msk [tilespmem:v58+s2+$0x0], $0xffff;
	[tilespmem:s22+$0x0] =	vst v37  }
0xd9: {  	s19 =	sor.u32 $0x300, s7;
	s15 =	sor.u32 $0x380, s7;
	s29 =	sor.u32 $0x200, s14;
	v35 =	vld.idx.msk [tilespmem:v57+s2+$0x0], $0xffff;
	[tilespmem:s16+$0x0] =	vst v38  }
0xda: {  	v63 =	vor.u32 $0x300, v1;
	s11 =	sor.u32 $0x200, s8;
	s17 =	sor.u32 $0x280, s8;
	s20 =	sor.u32 $0x280, s14;
	[tilespmem:s29+$0x5000] =	vst v30;
	v30 =	vld.idx.msk [tilespmem:v61+s2+$0x0], $0xffff  }
0xdb: {  	v62 =	vor.u32 $0x300, v2;
	s18 =	sor.u32 $0x300, s14;
	s14 =	sor.u32 $0x380, s14;
	s6 =	sor.u32 $0x280, s7;
	[tilespmem:s11+$0x5000] =	vst v31;
	v34 =	vld.idx.msk [tilespmem:v59+s2+$0x0], $0xffff  }
.Ltmp0:
0xdc: {  	v7 =	vmov v33;
	s7 =	sor.u32 s25, s31;
	s26 =	sor.u32 $0x300, s8;
	v33 =	vld.idx.msk [tilespmem:v29+s2+$0x0], $0xffff;
	[tilespmem:s28+$0x0] =	vst v36;
	(pc) =	sbr.rel @p1 .LBB2_2-.Ltmp0, $4  }
0xdd: {  	s22 =	rddreg [dreg:$0x7];
	s16 =	sor.u32 $0x380, s8;
	v31 =	vld.idx.msk [tilespmem:v28+s2+$0x0], $0xffff;
	s28 =	sor.u32 $0x280, s12;
	[tilespmem:s6+$0x5000] =	vst v60  }
0xde: {  	s11 =	sor.u32 s4, s31;
	s31 =	rddreg [dreg:$0x8];
	v29 =	vld.idx.msk [tilespmem:v8+s2+$0x0], $0xffff;
	[tilespmem:s28+$0x5000] =	vst v35;
	s28 =	sadd.s32 $0xD380, s30  }
0xdf: {  	s30 =	smov.u32 s22;
	v28 =	vld.idx.msk [tilespmem:v63+s2+$0x0], $0xffff;
	s22 =	sor.u32 s25, s28;
	s25 =	sor.u32 s21, s28  }
0xe0: {  	v9 =	vmov v53;
	v10 =	vmov v54;
	v8 =	vmov v32;
	v32 =	vld.idx.msk [tilespmem:v62+s2+$0x0], $0xffff;
	s8 =	sor.u32 s23, s28;
	s29 =	sor.u32 s4, s28;
	[tilespmem:s25+$0x0] =	vst v34;
	s25 =	smov.u32 s24  }
0xe1: {  	_ =	sdelay $0x2  }
0xe2: {  	v62 =	vor.u32 $0x380, v2;
	[tilespmem:s17+$0x5000] =	vst v31  }
0xe3: {  	[tilespmem:s20+$0x5000] =	vst v33;
	v63 =	vor.u32 $0x380, v1;
	v25 =	vld.idx.msk [tilespmem:v25+s2+$0x0], $0xffff  }
0xe4: {  	v26 =	vld.idx.msk [tilespmem:v26+s2+$0x0], $0xffff  }
0xe5: {  	s0 =	sor.u32 $0x300, s12  }
0xe6: {  	[tilespmem:s0+$0x5000] =	vst v32  }
0xe7: {  	[tilespmem:s19+$0x5000] =	vst v28;
	v31 =	vld.idx.msk [tilespmem:v62+s2+$0x0], $0xffff  }
0xe8: {  	v36 =	vadd.s32 $0x2000, v2;
	v37 =	vld.idx.msk [tilespmem:v63+s2+$0x0], $0xffff;
	[tilespmem:s26+$0x5000] =	vst v25  }
0xe9: {  	v38 =	vadd.s32 $0x2000, v1;
	[tilespmem:s18+$0x5000] =	vst v26;
	v24 =	vld.idx.msk [tilespmem:v24+s2+$0x0], $0xffff  }
0xea: {  	v23 =	vld.idx.msk [tilespmem:v23+s2+$0x0], $0xffff  }
0xeb: {  	s26 =	sor.u32 $0x380, s12  }
0xec: {  	[tilespmem:s26+$0x5000] =	vst v31  }
0xed: {  	[tilespmem:s15+$0x5000] =	vst v37;
	v25 =	vld.idx.msk [tilespmem:v36+s2+$0x0], $0xffff  }
0xee: {  	v39 =	vadd.s32 $0x2080, v2;
	v40 =	vld.idx.msk [tilespmem:v38+s2+$0x0], $0xffff;
	[tilespmem:s16+$0x5000] =	vst v24  }
0xef: {  	v41 =	vadd.s32 $0x2080, v1;
	[tilespmem:s14+$0x5000] =	vst v23;
	v19 =	vld.idx.msk [tilespmem:v19+s2+$0x0], $0xffff  }
0xf0: {  	s28 =	sadd.s32 $0xD000, s30;
	v20 =	vld.idx.msk [tilespmem:v20+s2+$0x0], $0xffff  }
0xf1: {  	s1 =	sor.u32 s31, s28  }
0xf2: {  	s0 =	sor.u32 s25, s28;
	s4 =	rddreg [dreg:$0x4];
	[tilespmem:s1+$0x0] =	vst v25  }
0xf3: {  	s3 =	sor.u32 s4, s28;
	s6 =	rddreg [dreg:$0x5];
	v24 =	vld.idx.msk [tilespmem:v39+s2+$0x0], $0xffff;
	[tilespmem:s0+$0x0] =	vst v40  }
0xf4: {  	v42 =	vadd.s32 $0x2100, v2;
	s12 =	sor.u32 s6, s28;
	v43 =	vld.idx.msk [tilespmem:v41+s2+$0x0], $0xffff;
	[tilespmem:s3+$0x0] =	vst v19  }
0xf5: {  	v44 =	vadd.s32 $0x2100, v1;
	[tilespmem:s12+$0x0] =	vst v20;
	v16 =	vld.idx.msk [tilespmem:v16+s2+$0x0], $0xffff  }
0xf6: {  	s14 =	sadd.s32 $0xD080, s30;
	v17 =	vld.idx.msk [tilespmem:v17+s2+$0x0], $0xffff  }
0xf7: {  	s15 =	sor.u32 s31, s14  }
0xf8: {  	s0 =	sor.u32 s25, s14;
	[tilespmem:s15+$0x0] =	vst v24  }
0xf9: {  	s16 =	sor.u32 s4, s14;
	v19 =	vld.idx.msk [tilespmem:v42+s2+$0x0], $0xffff;
	[tilespmem:s0+$0x0] =	vst v43  }
0xfa: {  	v45 =	vadd.s32 $0x2180, v2;
	s17 =	sor.u32 s6, s14;
	v46 =	vld.idx.msk [tilespmem:v44+s2+$0x0], $0xffff;
	[tilespmem:s16+$0x0] =	vst v16  }
0xfb: {  	v47 =	vadd.s32 $0x2180, v1;
	[tilespmem:s17+$0x0] =	vst v17;
	v13 =	vld.idx.msk [tilespmem:v13+s2+$0x0], $0xffff  }
0xfc: {  	s18 =	sadd.s32 $0xD100, s30;
	v14 =	vld.idx.msk [tilespmem:v14+s2+$0x0], $0xffff  }
0xfd: {  	s19 =	sor.u32 s31, s18  }
0xfe: {  	s0 =	sor.u32 s25, s18;
	[tilespmem:s19+$0x0] =	vst v19  }
0xff: {  	s20 =	sor.u32 s4, s18;
	v16 =	vld.idx.msk [tilespmem:v45+s2+$0x0], $0xffff;
	[tilespmem:s0+$0x0] =	vst v46  }
0x100: {  	v48 =	vadd.s32 $0x2200, v2;
	s21 =	sor.u32 s6, s18;
	v49 =	vld.idx.msk [tilespmem:v47+s2+$0x0], $0xffff;
	[tilespmem:s20+$0x0] =	vst v13  }
0x101: {  	v50 =	vadd.s32 $0x2200, v1;
	[tilespmem:s21+$0x0] =	vst v14;
	v11 =	vld.idx.msk [tilespmem:v11+s2+$0x0], $0xffff  }
0x102: {  	s23 =	sadd.s32 $0xD180, s30;
	v12 =	vld.idx.msk [tilespmem:v12+s2+$0x0], $0xffff  }
0x103: {  	s24 =	sor.u32 s31, s23;
	[tilespmem:s10+$0x0] =	vst v27  }
0x104: {  	s0 =	sor.u32 s25, s23;
	[tilespmem:s24+$0x0] =	vst v16  }
0x105: {  	s26 =	sor.u32 s4, s23;
	v13 =	vld.idx.msk [tilespmem:v48+s2+$0x0], $0xffff;
	[tilespmem:s0+$0x0] =	vst v49  }
0x106: {  	v51 =	vadd.s32 $0x2280, v2;
	s28 =	sor.u32 s6, s23;
	v52 =	vld.idx.msk [tilespmem:v50+s2+$0x0], $0xffff;
	[tilespmem:s26+$0x0] =	vst v11  }
0x107: {  	v53 =	vadd.s32 $0x2280, v1;
	[tilespmem:s28+$0x0] =	vst v12;
	v9 =	vld.idx.msk [tilespmem:v9+s2+$0x0], $0xffff  }
0x108: {  	[tilespmem:s9+$0x0] =	vst v29;
	s10 =	sadd.s32 $0xD200, s30;
	v10 =	vld.idx.msk [tilespmem:v10+s2+$0x0], $0xffff  }
0x109: {  	[tilespmem:s5+$0x0] =	vst v30;
	v5 =	vld.idx.msk [tilespmem:v5+s2+$0x0], $0xffff;
	s12 =	sor.u32 s31, s10  }
0x10a: {  	v54 =	vadd.s32 $0x2300, v0;
	v6 =	vld.idx.msk [tilespmem:v6+s2+$0x0], $0xffff;
	s0 =	sor.u32 s25, s10;
	[tilespmem:s12+$0x0] =	vst v13  }
0x10b: {  	s14 =	sor.u32 s4, s10;
	v11 =	vld.idx.msk [tilespmem:v51+s2+$0x0], $0xffff;
	[tilespmem:s0+$0x0] =	vst v52  }
0x10c: {  	v55 =	vadd.s32 $0x2300, v2;
	s15 =	sor.u32 s6, s10;
	v56 =	vld.idx.msk [tilespmem:v53+s2+$0x0], $0xffff;
	[tilespmem:s14+$0x0] =	vst v9  }
0x10d: {  	v58 =	vadd.s32 $0x2300, v1;
	[tilespmem:s15+$0x0] =	vst v10;
	v7 =	vld.idx.msk [tilespmem:v7+s2+$0x0], $0xffff  }
0x10e: {  	[tilespmem:s13+$0x0] =	vst v5;
	s16 =	sadd.s32 $0xD280, s30;
	v8 =	vld.idx.msk [tilespmem:v8+s2+$0x0], $0xffff  }
0x10f: {  	v57 =	vld.idx.msk [tilespmem:v54+s2+$0x0], $0xffff;
	[tilespmem:s11+$0x0] =	vst v6;
	s17 =	sor.u32 s31, s16  }
0x110: {  	v4 =	vld.idx.msk [tilespmem:v4+s2+$0x0], $0xffff;
	s0 =	sor.u32 s25, s16;
	[tilespmem:s17+$0x0] =	vst v11  }
0x111: {  	v59 =	vadd.s32 $0x2380, v0;
	s18 =	sor.u32 s4, s16;
	v9 =	vld.idx.msk [tilespmem:v55+s2+$0x0], $0xffff;
	[tilespmem:s0+$0x0] =	vst v56  }
0x112: {  	v60 =	vadd.s32 $0x2380, v2;
	s19 =	sor.u32 s6, s16;
	v5 =	vld.idx.msk [tilespmem:v58+s2+$0x0], $0xffff;
	[tilespmem:s18+$0x0] =	vst v7  }
0x113: {  	v61 =	vadd.s32 $0x2380, v1;
	[tilespmem:s19+$0x0] =	vst v8;
	v7 =	vld.idx.msk [tilespmem:v21+s2+$0x0], $0xffff  }
0x114: {  	[tilespmem:s7+$0x0] =	vst v57;
	s20 =	sadd.s32 $0xD300, s30;
	v8 =	vld.idx.msk [tilespmem:v22+s2+$0x0], $0xffff  }
0x115: {  	v3 =	vld.idx.msk [tilespmem:v3+s2+$0x0], $0xffff;
	[tilespmem:s8+$0x0] =	vst v4;
	s21 =	sor.u32 s31, s20  }
0x116: {  	v0 =	vld.idx.msk [tilespmem:v59+s2+$0x0], $0xffff;
	s0 =	sor.u32 s25, s20;
	[tilespmem:s21+$0x0] =	vst v9  }
0x117: {  	s23 =	sor.u32 s4, s20;
	v2 =	vld.idx.msk [tilespmem:v60+s2+$0x0], $0xffff;
	[tilespmem:s0+$0x0] =	vst v5  }
0x118: {  	s24 =	sor.u32 s6, s20;
	v1 =	vld.idx.msk [tilespmem:v61+s2+$0x0], $0xffff;
	[tilespmem:s23+$0x0] =	vst v7  }
0x119: {  	[tilespmem:s24+$0x0] =	vst v8;
	v62 =	vld.idx.msk [tilespmem:v18+s2+$0x0], $0xffff  }
0x11a: {  	[tilespmem:s29+$0x0] =	vst v3;
	s26 =	sadd.s32 $0xD380, s30;
	v63 =	vld.idx.msk [tilespmem:v15+s2+$0x0], $0xffff  }
0x11b: {  	[tilespmem:s22+$0x0] =	vst v0;
	s28 =	sor.u32 s31, s26  }
0x11c: {  	s31 =	sor.u32 s25, s26;
	[tilespmem:s28+$0x0] =	vst v2  }
0x11d: {  	s29 =	sor.u32 s4, s26;
	[tilespmem:s31+$0x0] =	vst v1  }
0x11e: {  	s30 =	sor.u32 s6, s26;
	[tilespmem:s29+$0x0] =	vst v62  }
0x11f: {  	[tilespmem:s30+$0x0] =	vst v63  }
0x120: {  	s1 =	simm.s32 $0x80;
	s11 =	rddreg [dreg:$0xb]  }
0x121: {  	s3 =	simm.s32 $0x5400;
	s0 =	simm.s32 $0x5000;
	s4 =	sadd.s32 $0x0, s11  }
.LBB2_4:
0x122: {  	[hbm4b:s4+s2] =	stream.linear.scatter [tilespmem:s0], [sflag:$0x1], $0x80, $0x38;
	[tilespmem:$0x15000] =	vst v63  }
0x123: {  	s4 =	smov.u32 s1;
	s0 =	smov.u32 s3;
	p0 =	sne.s32 s1, $0xF80  }
.Ltmp1:
0x124: {  	s1 =	sadd.s32 $0x80, s1;
	(pc) =	sbr.rel @p0 .LBB2_4-.Ltmp1, $2  }
0x125: {  	_ =	sdelay $0x2  }
0x126: {  	s3 =	sadd.s32 $0x400, s3;
	s4 =	sadd.s32 s4, s11  }
0x127: {  	[hbm4b:s4+s2] =	stream.linear.scatter [tilespmem:s0], [sflag:$0x1], $0x80, $0x38;
	[tilespmem:$0x15000] =	vst v63  }
0x128: {  	s12 =	rddreg [dreg:$0xc]  }
0x129: {  	s13 =	rddreg [dreg:$0xd]  }
0x12a: {  	s14 =	rddreg [dreg:$0xe]  }
0x12b: {  	s15 =	rddreg [dreg:$0xf]  }
0x12c: {  	s16 =	rddreg [dreg:$0x10]  }
0x12d: {  	s17 =	rddreg [dreg:$0x11]  }
0x12e: {  	s18 =	rddreg [dreg:$0x12]  }
0x12f: {  	s8 =	rddreg [dreg:$0x13]  }
0x130: {  	s19 =	rddreg [dreg:$0x14]  }
0x131: {  	s20 =	rddreg [dreg:$0x15]  }
0x132: {  	s6 =	rddreg [dreg:$0x16]  }
0x133: {  	s7 =	rddreg [dreg:$0x17]  }
0x134: {  	s9 =	rddreg [dreg:$0x18]  }
0x135: {  	s0 =	simm.s32 $0x5080;
	s1 =	simm.s32 $0x80;
	s10 =	rddreg [dreg:$0x19]  }
0x136: {  	s3 =	simm.s32 $0x5480;
	s21 =	rddreg [dreg:$0x1a];
	s4 =	sadd.s32 $0x0, s12  }
.LBB2_6:
0x137: {  	[hbm4b:s4+s2] =	stream.linear.scatter [tilespmem:s0], [sflag:$0x1], $0x80, $0x38;
	[tilespmem:$0x15000] =	vst v63  }
0x138: {  	s4 =	smov.u32 s1;
	s0 =	smov.u32 s3;
	p0 =	sne.s32 s1, $0xF80  }
.Ltmp2:
0x139: {  	s1 =	sadd.s32 $0x80, s1;
	(pc) =	sbr.rel @p0 .LBB2_6-.Ltmp2, $2  }
0x13a: {  	_ =	sdelay $0x2  }
0x13b: {  	s3 =	sadd.s32 $0x400, s3;
	s4 =	sadd.s32 s4, s12  }
0x13c: {  	[hbm4b:s4+s2] =	stream.linear.scatter [tilespmem:s0], [sflag:$0x1], $0x80, $0x38;
	[tilespmem:$0x15000] =	vst v63  }
0x13d: {  	s0 =	simm.s32 $0x5100  }
0x13e: {  	s1 =	simm.s32 $0x80;
	s4 =	sadd.s32 $0x0, s13;
	s3 =	simm.s32 $0x5500  }
.LBB2_8:
0x13f: {  	[hbm4b:s4+s2] =	stream.linear.scatter [tilespmem:s0], [sflag:$0x1], $0x80, $0x38;
	[tilespmem:$0x15000] =	vst v63  }
0x140: {  	s4 =	smov.u32 s1;
	s0 =	smov.u32 s3;
	p0 =	sne.s32 s1, $0xF80  }
.Ltmp3:
0x141: {  	s1 =	sadd.s32 $0x80, s1;
	(pc) =	sbr.rel @p0 .LBB2_8-.Ltmp3, $2  }
0x142: {  	_ =	sdelay $0x2  }
0x143: {  	s3 =	sadd.s32 $0x400, s3;
	s4 =	sadd.s32 s4, s13  }
0x144: {  	[hbm4b:s4+s2] =	stream.linear.scatter [tilespmem:s0], [sflag:$0x1], $0x80, $0x38;
	[tilespmem:$0x15000] =	vst v63  }
0x145: {  	s0 =	simm.s32 $0x5180  }
0x146: {  	s1 =	simm.s32 $0x80;
	s4 =	sadd.s32 $0x0, s14;
	s3 =	simm.s32 $0x5580  }
.LBB2_10:
0x147: {  	[hbm4b:s4+s2] =	stream.linear.scatter [tilespmem:s0], [sflag:$0x1], $0x80, $0x38;
	[tilespmem:$0x15000] =	vst v63  }
0x148: {  	s4 =	smov.u32 s1;
	s0 =	smov.u32 s3;
	p0 =	sne.s32 s1, $0xF80  }
.Ltmp4:
0x149: {  	s1 =	sadd.s32 $0x80, s1;
	(pc) =	sbr.rel @p0 .LBB2_10-.Ltmp4, $2  }
0x14a: {  	_ =	sdelay $0x2  }
0x14b: {  	s3 =	sadd.s32 $0x400, s3;
	s4 =	sadd.s32 s4, s14  }
0x14c: {  	[hbm4b:s4+s2] =	stream.linear.scatter [tilespmem:s0], [sflag:$0x1], $0x80, $0x38;
	[tilespmem:$0x15000] =	vst v63  }
0x14d: {  	s0 =	simm.s32 $0x5200  }
0x14e: {  	s1 =	simm.s32 $0x80;
	s4 =	sadd.s32 $0x0, s15;
	s3 =	simm.s32 $0x5600  }
.LBB2_12:
0x14f: {  	[hbm4b:s4+s2] =	stream.linear.scatter [tilespmem:s0], [sflag:$0x1], $0x80, $0x38;
	[tilespmem:$0x15000] =	vst v63  }
0x150: {  	s4 =	smov.u32 s1;
	s0 =	smov.u32 s3;
	p0 =	sne.s32 s1, $0xF80  }
.Ltmp5:
0x151: {  	s1 =	sadd.s32 $0x80, s1;
	(pc) =	sbr.rel @p0 .LBB2_12-.Ltmp5, $2  }
0x152: {  	_ =	sdelay $0x2  }
0x153: {  	s3 =	sadd.s32 $0x400, s3;
	s4 =	sadd.s32 s4, s15  }
0x154: {  	[hbm4b:s4+s2] =	stream.linear.scatter [tilespmem:s0], [sflag:$0x1], $0x80, $0x38;
	[tilespmem:$0x15000] =	vst v63  }
0x155: {  	s0 =	simm.s32 $0x5280  }
0x156: {  	s1 =	simm.s32 $0x80;
	s4 =	sadd.s32 $0x0, s16;
	s3 =	simm.s32 $0x5680  }
.LBB2_14:
0x157: {  	[hbm4b:s4+s2] =	stream.linear.scatter [tilespmem:s0], [sflag:$0x1], $0x80, $0x38;
	[tilespmem:$0x15000] =	vst v63  }
0x158: {  	s4 =	smov.u32 s1;
	s0 =	smov.u32 s3;
	p0 =	sne.s32 s1, $0xF80  }
.Ltmp6:
0x159: {  	s1 =	sadd.s32 $0x80, s1;
	(pc) =	sbr.rel @p0 .LBB2_14-.Ltmp6, $2  }
0x15a: {  	_ =	sdelay $0x2  }
0x15b: {  	s3 =	sadd.s32 $0x400, s3;
	s4 =	sadd.s32 s4, s16  }
0x15c: {  	[hbm4b:s4+s2] =	stream.linear.scatter [tilespmem:s0], [sflag:$0x1], $0x80, $0x38;
	[tilespmem:$0x15000] =	vst v63  }
0x15d: {  	s0 =	simm.s32 $0x5300  }
0x15e: {  	s1 =	simm.s32 $0x80;
	s4 =	sadd.s32 $0x0, s17;
	s3 =	simm.s32 $0x5700  }
.LBB2_16:
0x15f: {  	[hbm4b:s4+s2] =	stream.linear.scatter [tilespmem:s0], [sflag:$0x1], $0x80, $0x38;
	[tilespmem:$0x15000] =	vst v63  }
0x160: {  	s4 =	smov.u32 s1;
	s0 =	smov.u32 s3;
	p0 =	sne.s32 s1, $0xF80  }
.Ltmp7:
0x161: {  	s1 =	sadd.s32 $0x80, s1;
	(pc) =	sbr.rel @p0 .LBB2_16-.Ltmp7, $2  }
0x162: {  	_ =	sdelay $0x2  }
0x163: {  	s3 =	sadd.s32 $0x400, s3;
	s4 =	sadd.s32 s4, s17  }
0x164: {  	[hbm4b:s4+s2] =	stream.linear.scatter [tilespmem:s0], [sflag:$0x1], $0x80, $0x38;
	[tilespmem:$0x15000] =	vst v63  }
0x165: {  	s0 =	simm.s32 $0x5380  }
0x166: {  	s1 =	simm.s32 $0x80;
	s4 =	sadd.s32 $0x0, s18;
	s3 =	simm.s32 $0x5780  }
.LBB2_18:
0x167: {  	[hbm4b:s4+s2] =	stream.linear.scatter [tilespmem:s0], [sflag:$0x1], $0x80, $0x38;
	[tilespmem:$0x15000] =	vst v63  }
0x168: {  	s4 =	smov.u32 s1;
	s0 =	smov.u32 s3;
	p0 =	sne.s32 s1, $0xF80  }
.Ltmp8:
0x169: {  	s1 =	sadd.s32 $0x80, s1;
	(pc) =	sbr.rel @p0 .LBB2_18-.Ltmp8, $2  }
0x16a: {  	_ =	sdelay $0x2  }
0x16b: {  	s3 =	sadd.s32 $0x400, s3;
	s4 =	sadd.s32 s4, s18  }
0x16c: {  	[hbm4b:s4+s2] =	stream.linear.scatter [tilespmem:s0], [sflag:$0x1], $0x80, $0x38;
	[tilespmem:$0x15000] =	vst v63  }
0x16d: {  	s0 =	simm.s32 $0xD000  }
0x16e: {  	s1 =	simm.s32 $0x80;
	s4 =	sadd.s32 $0x0, s8;
	s3 =	simm.s32 $0xD400  }
.LBB2_20:
0x16f: {  	[hbm4b:s4+s2] =	stream.linear.scatter [tilespmem:s0], [sflag:$0x1], $0x80, $0x38;
	[tilespmem:$0x15000] =	vst v63  }
0x170: {  	s4 =	smov.u32 s1;
	s0 =	smov.u32 s3;
	p0 =	sne.s32 s1, $0xF80  }
.Ltmp9:
0x171: {  	s1 =	sadd.s32 $0x80, s1;
	(pc) =	sbr.rel @p0 .LBB2_20-.Ltmp9, $2  }
0x172: {  	_ =	sdelay $0x2  }
0x173: {  	s3 =	sadd.s32 $0x400, s3;
	s4 =	sadd.s32 s4, s8  }
0x174: {  	[hbm4b:s4+s2] =	stream.linear.scatter [tilespmem:s0], [sflag:$0x1], $0x80, $0x38;
	[tilespmem:$0x15000] =	vst v63  }
0x175: {  	s0 =	simm.s32 $0xD080  }
0x176: {  	s1 =	simm.s32 $0x80;
	s4 =	sadd.s32 $0x0, s19;
	s3 =	simm.s32 $0xD480  }
.LBB2_22:
0x177: {  	[hbm4b:s4+s2] =	stream.linear.scatter [tilespmem:s0], [sflag:$0x1], $0x80, $0x38;
	[tilespmem:$0x15000] =	vst v63  }
0x178: {  	s4 =	smov.u32 s1;
	s0 =	smov.u32 s3;
	p0 =	sne.s32 s1, $0xF80  }
.Ltmp10:
0x179: {  	s1 =	sadd.s32 $0x80, s1;
	(pc) =	sbr.rel @p0 .LBB2_22-.Ltmp10, $2  }
0x17a: {  	_ =	sdelay $0x2  }
0x17b: {  	s3 =	sadd.s32 $0x400, s3;
	s4 =	sadd.s32 s4, s19  }
0x17c: {  	[hbm4b:s4+s2] =	stream.linear.scatter [tilespmem:s0], [sflag:$0x1], $0x80, $0x38;
	[tilespmem:$0x15000] =	vst v63  }
0x17d: {  	s0 =	simm.s32 $0xD100  }
0x17e: {  	s1 =	simm.s32 $0x80;
	s4 =	sadd.s32 $0x0, s20;
	s3 =	simm.s32 $0xD500  }
.LBB2_24:
0x17f: {  	[hbm4b:s4+s2] =	stream.linear.scatter [tilespmem:s0], [sflag:$0x1], $0x80, $0x38;
	[tilespmem:$0x15000] =	vst v63  }
0x180: {  	s4 =	smov.u32 s1;
	s0 =	smov.u32 s3;
	p0 =	sne.s32 s1, $0xF80  }
.Ltmp11:
0x181: {  	s1 =	sadd.s32 $0x80, s1;
	(pc) =	sbr.rel @p0 .LBB2_24-.Ltmp11, $2  }
0x182: {  	_ =	sdelay $0x2  }
0x183: {  	s3 =	sadd.s32 $0x400, s3;
	s4 =	sadd.s32 s4, s20  }
0x184: {  	[hbm4b:s4+s2] =	stream.linear.scatter [tilespmem:s0], [sflag:$0x1], $0x80, $0x38;
	[tilespmem:$0x15000] =	vst v63  }
0x185: {  	s0 =	simm.s32 $0xD180  }
0x186: {  	s1 =	simm.s32 $0x80;
	s4 =	sadd.s32 $0x0, s6;
	s3 =	simm.s32 $0xD580  }
.LBB2_26:
0x187: {  	[hbm4b:s4+s2] =	stream.linear.scatter [tilespmem:s0], [sflag:$0x1], $0x80, $0x38;
	[tilespmem:$0x15000] =	vst v63  }
0x188: {  	s4 =	smov.u32 s1;
	s0 =	smov.u32 s3;
	p0 =	sne.s32 s1, $0xF80  }
.Ltmp12:
0x189: {  	s1 =	sadd.s32 $0x80, s1;
	(pc) =	sbr.rel @p0 .LBB2_26-.Ltmp12, $2  }
0x18a: {  	_ =	sdelay $0x2  }
0x18b: {  	s3 =	sadd.s32 $0x400, s3;
	s4 =	sadd.s32 s4, s6  }
0x18c: {  	[hbm4b:s4+s2] =	stream.linear.scatter [tilespmem:s0], [sflag:$0x1], $0x80, $0x38;
	[tilespmem:$0x15000] =	vst v63  }
0x18d: {  	s0 =	simm.s32 $0xD200  }
0x18e: {  	s1 =	simm.s32 $0x80;
	s4 =	sadd.s32 $0x0, s7;
	s3 =	simm.s32 $0xD600  }
.LBB2_28:
0x18f: {  	[hbm4b:s4+s2] =	stream.linear.scatter [tilespmem:s0], [sflag:$0x1], $0x80, $0x38;
	[tilespmem:$0x15000] =	vst v63  }
0x190: {  	s4 =	smov.u32 s1;
	s0 =	smov.u32 s3;
	p0 =	sne.s32 s1, $0xF80  }
.Ltmp13:
0x191: {  	s1 =	sadd.s32 $0x80, s1;
	(pc) =	sbr.rel @p0 .LBB2_28-.Ltmp13, $2  }
0x192: {  	_ =	sdelay $0x2  }
0x193: {  	s3 =	sadd.s32 $0x400, s3;
	s4 =	sadd.s32 s4, s7  }
0x194: {  	[hbm4b:s4+s2] =	stream.linear.scatter [tilespmem:s0], [sflag:$0x1], $0x80, $0x38;
	[tilespmem:$0x15000] =	vst v63  }
0x195: {  	s0 =	simm.s32 $0xD280  }
0x196: {  	s1 =	simm.s32 $0x80;
	s4 =	sadd.s32 $0x0, s9;
	s3 =	simm.s32 $0xD680  }
.LBB2_30:
0x197: {  	[hbm4b:s4+s2] =	stream.linear.scatter [tilespmem:s0], [sflag:$0x1], $0x80, $0x38;
	[tilespmem:$0x15000] =	vst v63  }
0x198: {  	s4 =	smov.u32 s1;
	s0 =	smov.u32 s3;
	p0 =	sne.s32 s1, $0xF80  }
.Ltmp14:
0x199: {  	s1 =	sadd.s32 $0x80, s1;
	(pc) =	sbr.rel @p0 .LBB2_30-.Ltmp14, $2  }
0x19a: {  	_ =	sdelay $0x2  }
0x19b: {  	s3 =	sadd.s32 $0x400, s3;
	s4 =	sadd.s32 s4, s9  }
0x19c: {  	[hbm4b:s4+s2] =	stream.linear.scatter [tilespmem:s0], [sflag:$0x1], $0x80, $0x38;
	[tilespmem:$0x15000] =	vst v63  }
0x19d: {  	s0 =	simm.s32 $0xD300  }
0x19e: {  	s1 =	simm.s32 $0x80;
	s4 =	sadd.s32 $0x0, s10;
	s3 =	simm.s32 $0xD700  }
.LBB2_32:
0x19f: {  	[hbm4b:s4+s2] =	stream.linear.scatter [tilespmem:s0], [sflag:$0x1], $0x80, $0x38;
	[tilespmem:$0x15000] =	vst v63  }
0x1a0: {  	s4 =	smov.u32 s1;
	s0 =	smov.u32 s3;
	p0 =	sne.s32 s1, $0xF80  }
.Ltmp15:
0x1a1: {  	s1 =	sadd.s32 $0x80, s1;
	(pc) =	sbr.rel @p0 .LBB2_32-.Ltmp15, $2  }
0x1a2: {  	_ =	sdelay $0x2  }
0x1a3: {  	s3 =	sadd.s32 $0x400, s3;
	s4 =	sadd.s32 s4, s10  }
0x1a4: {  	[hbm4b:s4+s2] =	stream.linear.scatter [tilespmem:s0], [sflag:$0x1], $0x80, $0x38;
	[tilespmem:$0x15000] =	vst v63  }
0x1a5: {  	s0 =	simm.s32 $0xD380  }
0x1a6: {  	s1 =	simm.s32 $0x80;
	s4 =	sadd.s32 $0x0, s21;
	s3 =	simm.s32 $0xD780  }
.LBB2_34:
0x1a7: {  	[hbm4b:s4+s2] =	stream.linear.scatter [tilespmem:s0], [sflag:$0x1], $0x80, $0x38;
	[tilespmem:$0x15000] =	vst v63  }
0x1a8: {  	s4 =	smov.u32 s1;
	s0 =	smov.u32 s3;
	p0 =	sne.s32 s1, $0xF80  }
.Ltmp16:
0x1a9: {  	s1 =	sadd.s32 $0x80, s1;
	(pc) =	sbr.rel @p0 .LBB2_34-.Ltmp16, $2  }
0x1aa: {  	_ =	sdelay $0x2  }
0x1ab: {  	s3 =	sadd.s32 $0x400, s3;
	s4 =	sadd.s32 s4, s21  }
0x1ac: {  	[hbm4b:s4+s2] =	stream.linear.scatter [tilespmem:s0], [sflag:$0x1], $0x80, $0x38;
	[tilespmem:$0x15000] =	vst v63  }
0x1ad: {  	s3 =	simm.s32 $0x1  }
0x1ae: {  	_ =	swait.ge [sflag:s3], $0x1000  }
0x1af: {  	[sflag:s3] =	ssyncset.done $0x0  }
0x1b0: {  	[sflag:s3] =	ssyncadd.s32 $0xFFFFF000  }
0x1b1: {  	_ =	swait.ge [sflag:s3], $0x1000  }
0x1b2: {  	[sflag:s3] =	ssyncset.done $0x0  }
0x1b3: {  	[sflag:s3] =	ssyncadd.s32 $0xFFFFF000  }
0x1b4: {  	_ =	swait.ge [sflag:s3], $0x1000  }
0x1b5: {  	[sflag:s3] =	ssyncset.done $0x0  }
0x1b6: {  	[sflag:s3] =	ssyncadd.s32 $0xFFFFF000  }
0x1b7: {  	_ =	swait.ge [sflag:s3], $0x1000  }
0x1b8: {  	[sflag:s3] =	ssyncset.done $0x0  }
0x1b9: {  	[sflag:s3] =	ssyncadd.s32 $0xFFFFF000  }
0x1ba: {  	_ =	swait.ge [sflag:s3], $0x1000  }
0x1bb: {  	[sflag:s3] =	ssyncset.done $0x0  }
0x1bc: {  	[sflag:s3] =	ssyncadd.s32 $0xFFFFF000  }
0x1bd: {  	_ =	swait.ge [sflag:s3], $0x1000  }
0x1be: {  	[sflag:s3] =	ssyncset.done $0x0  }
0x1bf: {  	[sflag:s3] =	ssyncadd.s32 $0xFFFFF000  }
0x1c0: {  	_ =	swait.ge [sflag:s3], $0x1000  }
0x1c1: {  	[sflag:s3] =	ssyncset.done $0x0  }
0x1c2: {  	[sflag:s3] =	ssyncadd.s32 $0xFFFFF000  }
0x1c3: {  	_ =	swait.ge [sflag:s3], $0x1000  }
0x1c4: {  	[sflag:s3] =	ssyncset.done $0x0  }
0x1c5: {  	[sflag:s3] =	ssyncadd.s32 $0xFFFFF000  }
0x1c6: {  	_ =	swait.ge [sflag:s3], $0x1000  }
0x1c7: {  	[sflag:s3] =	ssyncset.done $0x0  }
0x1c8: {  	[sflag:s3] =	ssyncadd.s32 $0xFFFFF000  }
0x1c9: {  	_ =	swait.ge [sflag:s3], $0x1000  }
0x1ca: {  	[sflag:s3] =	ssyncset.done $0x0  }
0x1cb: {  	[sflag:s3] =	ssyncadd.s32 $0xFFFFF000  }
0x1cc: {  	_ =	swait.ge [sflag:s3], $0x1000  }
0x1cd: {  	[sflag:s3] =	ssyncset.done $0x0  }
0x1ce: {  	[sflag:s3] =	ssyncadd.s32 $0xFFFFF000  }
0x1cf: {  	_ =	swait.ge [sflag:s3], $0x1000  }
0x1d0: {  	[sflag:s3] =	ssyncset.done $0x0  }
0x1d1: {  	[sflag:s3] =	ssyncadd.s32 $0xFFFFF000  }
0x1d2: {  	_ =	swait.ge [sflag:s3], $0x1000  }
0x1d3: {  	[sflag:s3] =	ssyncset.done $0x0  }
0x1d4: {  	[sflag:s3] =	ssyncadd.s32 $0xFFFFF000  }
0x1d5: {  	_ =	swait.ge [sflag:s3], $0x1000  }
0x1d6: {  	[sflag:s3] =	ssyncset.done $0x0  }
0x1d7: {  	[sflag:s3] =	ssyncadd.s32 $0xFFFFF000  }
0x1d8: {  	_ =	swait.ge [sflag:s3], $0x1000  }
0x1d9: {  	[sflag:s3] =	ssyncset.done $0x0  }
0x1da: {  	[sflag:s3] =	ssyncadd.s32 $0xFFFFF000  }
0x1db: {  	_ =	swait.ge [sflag:s3], $0x1000  }
0x1dc: {  	s1 =	rddreg [dreg:$0x1c]  }
0x1dd: {  	s31 =	rddreg [dreg:$0x1b];
	s1 =	sadd.s32 $0x1, s1  }
0x1de: {  	p0 =	sne.s32 s1, s31  }
.Ltmp17:
0x1df: {  	_ = 	snop;
	(pc) =	sbr.rel @p0 .LBB2_1-.Ltmp17, $3  }
0x1e0: {  	_ =	sdelay $0x1  }
0x1e1: {  	[sflag:s3] =	ssyncset.done $0x0  }
0x1e2: {  	[sflag:s3] =	ssyncadd.s32 $0xFFFFF000  }
0x1e3: {  	_ =	sfence.sel $0x180000  }
0x1e4: {  	[bflag:$0x0] =	sbarrier.arrive $0xFFFF  }
0x1e5: {  	_ =	strace $0x90000047  }
0x1e6: {  	s0 =	stileid.u32;
	[bflag:$0x2] =	sbarrier.arrive $0xFFFF  }
0x1e7: {  	p0 =	sne.s32 s0, $0x0;
	s0 =	rddreg [dreg:$0x3]  }
0x1e8: {  	s0 =	sadd.s32 @!p0 $0x100000, s0  }
0x1e9: {  	[sflag:s0] =	ssyncadd.tile.s32 @!p0 $0x1;
	_ =	shalt  }
.Lfunc_end2:
_tile_overlayer_lowered:
.L_overlay_start_2:
0x1ea: {  	(tag) =	ssettag $0x2  }
0x1eb: {  	s0 =	rddreg [dreg:$0x0];
	s2 =	stileid.u32  }
0x1ec: {  	s1 =	rddreg [dreg:$0x1];
	p0 =	sne.s32 s2, $0x0  }
0x1ed: {  	s3 =	rddreg [dreg:$0x2];
	[bflag:$0x3] =	sbarrier.arrive $0xFFFF;
	s2 =	simm.s32 @!p0 $0x1C03  }
0x1ee: {  	[timem:s3], [sflag:s2] =	dma.local @!p0 [hbm:s0], s1  }
0x1ef: {  	s0 =	simm.s32 @!p0 $0x3  }
0x1f0: {  	_ =	swait.ge @!p0 [sflag:s0], s1  }
0x1f1: {  	s1 =	ssub.s32 @!p0 $0x0, s1;
	[sflag:s0] =	ssyncset.done @!p0 $0x0  }
0x1f2: {  	[sflag:s0] =	ssyncadd.s32 @!p0 s1  }
0x1f3: {  	[bflag:$0x3] =	sbarrier.arrive $0xFFFF  }
0x1f4: {  	_ =	shalt  }

</sc_bundles>
